<compile_context>
chip_gen: v7x
topology: tpu7x:2x2x1
jax: 0.10.2.dev20260603
libtpu: 0.0.44.dev20260713+nightly
codegen_flags: <defaults>
</compile_context>

<pallas_src>
import functools

import jax
import jax.numpy as jnp
from jax import lax
from jax.experimental import pallas as pl
from jax.experimental.pallas import tpu as pltpu
from jax.experimental.pallas import tpu_sc as plsc

N = 4096
F = 512
KP = 1024


def _head_body(x_ref, w_ref, s_ref, feat_ref, idx_ref):
    w = w_ref[...]
    nrm = jax.lax.rsqrt(jnp.maximum(jnp.sum(w * w), 1e-12))
    y = jnp.dot(x_ref[...], w * nrm,
                preferred_element_type=jnp.float32)
    feat_ref[:, :F] = x_ref[...] * jnp.tanh(y)
    sbc = lax.bitcast_convert_type(s_ref[...], jnp.float32)
    feat_ref[:, F:] = jnp.broadcast_to(sbc, (N, 128))

    srow = y.T
    cw = 512
    rank = jnp.zeros((1, N), jnp.float32)
    ii = lax.broadcasted_iota(jnp.int32, (cw, N), 1)
    for cj in range(N // cw):
        sj = y[cj * cw:(cj + 1) * cw, :]
        jj = lax.broadcasted_iota(jnp.int32, (cw, N), 0) + cj * cw
        before = (sj > srow) | ((sj == srow) & (jj < ii))
        rank = rank + jnp.sum(before.astype(jnp.float32), axis=0,
                              keepdims=True)
    maskr = (rank < KP).astype(jnp.float32)
    lane = lax.broadcasted_iota(jnp.int32, (1, N), 1)
    crow = maskr
    sh = 1
    while sh < N:
        r = pltpu.roll(crow, sh, axis=1)
        crow = crow + jnp.where(lane >= sh, r, 0.0)
        sh *= 2
    for pi in range(KP // cw):
        pp = (lax.broadcasted_iota(jnp.int32, (cw, N), 0) + pi * cw
              ).astype(jnp.float32)
        cnt = jnp.sum((crow <= pp).astype(jnp.float32), axis=1, keepdims=True)
        idx_ref[pl.ds(pi * cw, cw), :] = cnt.astype(jnp.int32)


def _head(X, w, S):
    return pl.pallas_call(
        _head_body,
        out_shape=(
            jax.ShapeDtypeStruct((N, F + 128), jnp.float32),
            jax.ShapeDtypeStruct((KP, 1), jnp.int32),
        ),
    )(X, w, jnp.reshape(S, (N, 1)))


_TRG = 4
_TBJ = 2048


def _tr_body(a1_ref, a2_ref, o_ref):
    lo = a1_ref[...].T.astype(jnp.bfloat16)
    hi = a2_ref[...].T.astype(jnp.bfloat16)
    lo32 = lax.convert_element_type(
        lax.bitcast_convert_type(lo, jnp.uint16), jnp.uint32)
    hi32 = lax.convert_element_type(
        lax.bitcast_convert_type(hi, jnp.uint16), jnp.uint32)
    o_ref[...] = ((hi32 << 16) | lo32).astype(jnp.int32)


def _transpose_packed(A):
    kb = N // 2 // _TRG
    return pl.pallas_call(
        _tr_body,
        grid=(_TRG, N // _TBJ),
        in_specs=[
            pl.BlockSpec((kb, _TBJ), lambda g, j: (g, j)),
            pl.BlockSpec((kb, _TBJ), lambda g, j: (g + _TRG, j)),
        ],
        out_specs=pl.BlockSpec((_TBJ, kb), lambda g, j: (j, g)),
        out_shape=jax.ShapeDtypeStruct((N, N // 2), jnp.int32),
    )(A, A)


_NC = 2
_NS = 16
_NW = _NC * _NS
_BPW = KP // _NW
_AC = 8


def _sc_gather_a_body(feat_hbm, a_hbm, idx_hbm, idx2_hbm,
                      xp_out, sp_out, ar_out,
                      idx_v, idxc_v, xbuf, ab0, ab1, semx, sem0, sem1):
    wid = lax.axis_index("s") * _NC + lax.axis_index("c")
    base = wid * _BPW
    pltpu.sync_copy(idx_hbm.at[pl.ds(base, _BPW)], idx_v)
    pltpu.sync_copy(idx2_hbm.at[pl.ds(wid * (_BPW // _AC), _BPW // _AC)],
                    idxc_v)
    cpx = pltpu.async_copy(feat_hbm.at[idx_v], xbuf, semx)
    bufs = (ab0, ab1)
    sems = (sem0, sem1)
    nc = _BPW // _AC
    cps = [pltpu.async_copy(a_hbm.at[idxc_v.at[0]], ab0, sem0)]
    for c in range(nc):
        if c + 1 < nc:
            cps.append(pltpu.async_copy(a_hbm.at[idxc_v.at[c + 1]],
                                        bufs[(c + 1) % 2], sems[(c + 1) % 2]))
        cps[c].wait()
        pltpu.sync_copy(bufs[c % 2], ar_out.at[pl.ds(base + c * _AC, _AC)])
    cpx.wait()
    pltpu.sync_copy(xbuf.at[:, :F], xp_out.at[pl.ds(base, _BPW)])
    pltpu.sync_copy(xbuf.at[:, F:], sp_out.at[pl.ds(base, _BPW)])


def _sc_gather_a(feat, A, idx, idx2):
    mesh = plsc.VectorSubcoreMesh(core_axis_name="c", subcore_axis_name="s")
    run = functools.partial(
        pl.kernel,
        mesh=mesh,
        out_type=[
            jax.ShapeDtypeStruct((KP, F), jnp.float32),
            jax.ShapeDtypeStruct((KP, 128), jnp.float32),
            jax.ShapeDtypeStruct((KP, N), jnp.float32),
        ],
        scratch_types=[
            pltpu.VMEM((_BPW,), jnp.int32),
            pltpu.VMEM((_BPW // _AC, _AC), jnp.int32),
            pltpu.VMEM((_BPW, F + 128), jnp.float32),
            pltpu.VMEM((_AC, N), jnp.float32),
            pltpu.VMEM((_AC, N), jnp.float32),
            pltpu.SemaphoreType.DMA,
            pltpu.SemaphoreType.DMA,
            pltpu.SemaphoreType.DMA,
        ],
    )(_sc_gather_a_body)
    return run(feat, A, idx, idx2)


_ACT = 16


def _sc_gather_at_body(at_hbm, idx2_hbm, atr_out, idxc_v, ab0, ab1,
                       sem0, sem1):
    wid = lax.axis_index("s") * _NC + lax.axis_index("c")
    base = wid * _BPW
    pltpu.sync_copy(idx2_hbm.at[pl.ds(wid * (_BPW // _ACT), _BPW // _ACT)],
                    idxc_v)
    bufs = (ab0, ab1)
    sems = (sem0, sem1)
    nc = _BPW // _ACT
    cps = [pltpu.async_copy(at_hbm.at[idxc_v.at[0]], ab0, sem0)]
    for c in range(nc):
        if c + 1 < nc:
            cps.append(pltpu.async_copy(at_hbm.at[idxc_v.at[c + 1]],
                                        bufs[(c + 1) % 2], sems[(c + 1) % 2]))
        cps[c].wait()
        pltpu.sync_copy(bufs[c % 2], atr_out.at[pl.ds(base + c * _ACT, _ACT)])


def _sc_gather_at(At, idx2t):
    mesh = plsc.VectorSubcoreMesh(core_axis_name="c", subcore_axis_name="s")
    run = functools.partial(
        pl.kernel,
        mesh=mesh,
        out_type=[jax.ShapeDtypeStruct((KP, N // 2), jnp.int32)],
        scratch_types=[
            pltpu.VMEM((_BPW // _ACT, _ACT), jnp.int32),
            pltpu.VMEM((_ACT, N // 2), jnp.int32),
            pltpu.VMEM((_ACT, N // 2), jnp.int32),
            pltpu.SemaphoreType.DMA,
            pltpu.SemaphoreType.DMA,
        ],
    )(_sc_gather_at_body)
    return run(At, idx2t)[0]


_MB = 256


def _mm_body(ar_ref, atrp_ref, o_ref):
    w = lax.bitcast_convert_type(atrp_ref[...], jnp.uint32)
    lo = lax.bitcast_convert_type(
        lax.convert_element_type(w & 0xFFFF, jnp.uint16), jnp.bfloat16)
    hi = lax.bitcast_convert_type(
        lax.convert_element_type(w >> 16, jnp.uint16), jnp.bfloat16)
    ar = ar_ref[...]
    dn = (((1,), (1,)), ((), ()))
    o_ref[...] = (
        lax.dot_general(ar[:, :N // 2].astype(jnp.bfloat16), lo, dn,
                        preferred_element_type=jnp.float32)
        + lax.dot_general(ar[:, N // 2:].astype(jnp.bfloat16), hi, dn,
                          preferred_element_type=jnp.float32))


def _pool_matmul(Ar, Atrp):
    g = KP // _MB
    return pl.pallas_call(
        _mm_body,
        grid=(g,),
        in_specs=[
            pl.BlockSpec((_MB, N), lambda i: (i, 0)),
            pl.BlockSpec((KP, N // 2), lambda i: (0, 0)),
        ],
        out_specs=pl.BlockSpec((_MB, KP), lambda i: (i, 0)),
        out_shape=jax.ShapeDtypeStruct((KP, KP), jnp.float32),
    )(Ar, Atrp)


def kernel(X, A, S, kernel):
    feat, idx2d = _head(X, kernel, S)
    idx = jnp.reshape(idx2d, (KP,))
    idx2 = jnp.reshape(idx, (KP // _AC, _AC))
    Xp, Sp2, Ar = _sc_gather_a(feat, A, idx, idx2)
    At = _transpose_packed(A)
    Atr = _sc_gather_at(At, jnp.reshape(idx, (KP // _ACT, _ACT)))
    Ap = _pool_matmul(Ar, Atr)
    Sp = lax.bitcast_convert_type(Sp2[:, 0], jnp.int32)
    return Xp, Ap, Sp

# --- scband reference (transcript-rebuilt; emitter-appended) ---
"""Pipeline reference for scband-top-kpool-24824910970968 (READ-ONLY COPY).

The authoritative reference and input builder live on the scoring server;
editing this copy changes nothing except your own understanding.
"""

import jax, jax.numpy as jnp
import numpy as np

K_POOL = 1024
N_NODES = 4096
F_DIM = 512


def setup_inputs(seed: int = 0) -> dict:
    key = jax.random.key(seed)
    k1, k2, k3, k4 = jax.random.split(key, 4)
    X = jax.random.normal(k1, (N_NODES, F_DIM), dtype=jnp.float32)
    A = jax.random.uniform(k2, (N_NODES, N_NODES), dtype=jnp.float32)
    S = jnp.sort(jax.random.randint(k3, (N_NODES,), 0, 16, dtype=jnp.int32))
    kernel = jax.random.normal(k4, (F_DIM, 1), dtype=jnp.float32) * 0.05
    return {"X": X, "A": A, "S": S, "kernel": kernel}


def reference(X, A, S, kernel):
    # y = X @ l2_normalize(kernel)  (normalize over the whole (F,1) kernel, as tf.nn.l2_normalize with axis=None)
    kn = kernel * jax.lax.rsqrt(jnp.maximum(jnp.sum(jnp.square(kernel)), 1e-12))
    y = X @ kn  # [N, 1]
    scores = jnp.squeeze(y, axis=-1)  # [N]
    # top-k node selection; boolean_mask keeps selected rows in original index order,
    # which equals gathering at the sorted top-k indices
    _, idx = jax.lax.top_k(scores, K_POOL)
    idx = jnp.sort(idx)
    # gated features
    features = X * jnp.tanh(y)  # [N, F]
    X_pooled = jnp.take(features, idx, axis=0)  # [k, F]
    # A^2 to preserve connectivity, then pool rows and cols
    A2 = A @ A  # [N, N]
    A_pooled = jnp.take(jnp.take(A2, idx, axis=0), idx, axis=1)  # [k, k]
    S_pooled = jnp.take(S, idx, axis=0)  # [k]
    return X_pooled, A_pooled, S_pooled

if __name__ == "__main__":
    import jax
    _d = setup_inputs()
    print(jax.jit(kernel)(*tuple(_d.values())))

</pallas_src>

<mosaic_0001>
#map = affine_map<(d0, d1) -> (0, 0)>
module attributes {stable_mosaic.version = 14 : i64} {
  func.func @_sc_gather_at_body(%arg0: i32, %arg1: i32, %arg2: memref<4096x2048xi32, #tpu.memory_space<hbm>>, %arg3: memref<64x16xi32, #tpu.memory_space<hbm>>, %arg4: memref<1024x2048xi32, #tpu.memory_space<hbm>>, %arg5: memref<2x16xi32, #tpu.memory_space<vmem>>, %arg6: memref<16x2048xi32, #tpu.memory_space<vmem>>, %arg7: memref<16x2048xi32, #tpu.memory_space<vmem>>, %arg8: memref<!tpu.dma_semaphore, #tpu.memory_space<semaphore_mem>>, %arg9: memref<!tpu.dma_semaphore, #tpu.memory_space<semaphore_mem>>) attributes {dimension_semantics = [#tpu.dimension_semantics<core_parallel>, #tpu.dimension_semantics<subcore_parallel>], iteration_bounds = array<i64: 2, 16>, scalar_prefetch = 0 : i64, scratch_operands = 5 : i64, tpu.core_type = #tpu.core_type<sc_vector_subcore>, window_params = [{transform_indices = #map}, {transform_indices = #map}, {transform_indices = #map}]} {
    %mul3A = arith.constant 2 : i32
    %mul3A_0 = arith.muli %arg1, %mul3A : i32
    %add3A = arith.addi %mul3A_0, %arg0 : i32
    %mul3A_1 = arith.constant 32 : i32
    %mul3A_2 = arith.muli %add3A, %mul3A_1 : i32
    %mul3A_3 = arith.constant 2 : i32
    %mul3A_4 = arith.muli %add3A, %mul3A_3 : i32
    "tpu.region"() ({
      %run_scoped3A = tpu.sem_alloc : memref<!tpu.dma_semaphore, #tpu.memory_space<semaphore_mem>>
      %dma_start3A_35 = arith.constant 0 : i32
      %dma_start3A_36 = tpu.memref_slice %arg3[%mul3A_4, %dma_start3A_35] : memref<64x16xi32, #tpu.memory_space<hbm>> -> memref<2x16xi32, #tpu.memory_space<hbm>>
      %dma_start3A_37 = arith.constant 0 : i32
      %dma_start3A_38 = tpu.memref_slice %arg3[%mul3A_4, %dma_start3A_37] : memref<64x16xi32, #tpu.memory_space<hbm>> -> memref<2x16xi32, #tpu.memory_space<hbm>>
      tpu.enqueue_dma source(%dma_start3A_38 : memref<2x16xi32, #tpu.memory_space<hbm>>) target(%arg5 : memref<2x16xi32, #tpu.memory_space<vmem>>) target_semaphore(%run_scoped3A : memref<!tpu.dma_semaphore, #tpu.memory_space<semaphore_mem>>)
      %dma_wait3A_39 = arith.constant 0 : i32
      %dma_wait3A_40 = tpu.memref_slice %arg3[%mul3A_4, %dma_wait3A_39] : memref<64x16xi32, #tpu.memory_space<hbm>> -> memref<2x16xi32, #tpu.memory_space<hbm>>
      %dma_wait3A_41 = arith.constant 0 : i32
      %dma_wait3A_42 = tpu.memref_slice %arg3[%mul3A_4, %dma_wait3A_41] : memref<64x16xi32, #tpu.memory_space<hbm>> -> memref<2x16xi32, #tpu.memory_space<hbm>>
      tpu.wait_dma2 semaphore(%run_scoped3A : memref<!tpu.dma_semaphore, #tpu.memory_space<semaphore_mem>>) src(%dma_wait3A_42 : memref<2x16xi32, #tpu.memory_space<hbm>>) dst(%arg5 : memref<2x16xi32, #tpu.memory_space<vmem>>)
      tpu.yield
    }) : () -> ()
    %dma_start3A = arith.constant 0 : i32
    %dma_start3A_5 = arith.constant 0 : i32
    %dma_start3A_6 = tpu.memref_slice %arg5[%dma_start3A, %dma_start3A_5] : memref<2x16xi32, #tpu.memory_space<vmem>> -> memref<1x16xi32, #tpu.memory_space<vmem>>
    %dma_start3A_7 = tpu.memref_squeeze %dma_start3A_6 : memref<1x16xi32, #tpu.memory_space<vmem>> -> memref<16xi32, #tpu.memory_space<vmem>>
    %dma_start3A_8 = arith.constant 0 : i32
    %dma_start3A_9 = arith.constant 0 : i32
    %dma_start3A_10 = tpu.memref_slice %arg2[%dma_start3A_8, %dma_start3A_9] : memref<4096x2048xi32, #tpu.memory_space<hbm>> -> memref<4096x2048xi32, #tpu.memory_space<hbm>>
    tpu.enqueue_indirect_dma source(%dma_start3A_10 : memref<4096x2048xi32, #tpu.memory_space<hbm>>) target(%arg6 : memref<16x2048xi32, #tpu.memory_space<vmem>>) offsets(%dma_start3A_7 : memref<16xi32, #tpu.memory_space<vmem>>) semaphore(%arg8 : memref<!tpu.dma_semaphore, #tpu.memory_space<semaphore_mem>>)
    %dma_start3A_11 = arith.constant 1 : i32
    %dma_start3A_12 = arith.constant 0 : i32
    %dma_start3A_13 = tpu.memref_slice %arg5[%dma_start3A_11, %dma_start3A_12] : memref<2x16xi32, #tpu.memory_space<vmem>> -> memref<1x16xi32, #tpu.memory_space<vmem>>
    %dma_start3A_14 = tpu.memref_squeeze %dma_start3A_13 : memref<1x16xi32, #tpu.memory_space<vmem>> -> memref<16xi32, #tpu.memory_space<vmem>>
    %dma_start3A_15 = arith.constant 0 : i32
    %dma_start3A_16 = arith.constant 0 : i32
    %dma_start3A_17 = tpu.memref_slice %arg2[%dma_start3A_15, %dma_start3A_16] : memref<4096x2048xi32, #tpu.memory_space<hbm>> -> memref<4096x2048xi32, #tpu.memory_space<hbm>>
    tpu.enqueue_indirect_dma source(%dma_start3A_17 : memref<4096x2048xi32, #tpu.memory_space<hbm>>) target(%arg7 : memref<16x2048xi32, #tpu.memory_space<vmem>>) offsets(%dma_start3A_14 : memref<16xi32, #tpu.memory_space<vmem>>) semaphore(%arg9 : memref<!tpu.dma_semaphore, #tpu.memory_space<semaphore_mem>>)
    %dma_wait3A = arith.constant 0 : i32
    %dma_wait3A_18 = arith.constant 0 : i32
    %dma_wait3A_19 = tpu.memref_slice %arg5[%dma_wait3A, %dma_wait3A_18] : memref<2x16xi32, #tpu.memory_space<vmem>> -> memref<1x16xi32, #tpu.memory_space<vmem>>
    %dma_wait3A_20 = tpu.memref_squeeze %dma_wait3A_19 : memref<1x16xi32, #tpu.memory_space<vmem>> -> memref<16xi32, #tpu.memory_space<vmem>>
    %dma_wait3A_21 = arith.constant 0 : i32
    %dma_wait3A_22 = arith.constant 0 : i32
    %dma_wait3A_23 = tpu.memref_slice %arg2[%dma_wait3A_21, %dma_wait3A_22] : memref<4096x2048xi32, #tpu.memory_space<hbm>> -> memref<4096x2048xi32, #tpu.memory_space<hbm>>
    tpu.wait_indirect_dma semaphore(%arg8 : memref<!tpu.dma_semaphore, #tpu.memory_space<semaphore_mem>>) src(%dma_wait3A_23 : memref<4096x2048xi32, #tpu.memory_space<hbm>>) dst(%arg6 : memref<16x2048xi32, #tpu.memory_space<vmem>>)
    %add3A_24 = arith.constant 0 : i32
    %add3A_25 = arith.addi %mul3A_2, %add3A_24 : i32
    "tpu.region"() ({
      %run_scoped3A = tpu.sem_alloc : memref<!tpu.dma_semaphore, #tpu.memory_space<semaphore_mem>>
      %dma_start3A_35 = arith.constant 0 : i32
      %dma_start3A_36 = tpu.memref_slice %arg4[%add3A_25, %dma_start3A_35] : memref<1024x2048xi32, #tpu.memory_space<hbm>> -> memref<16x2048xi32, #tpu.memory_space<hbm>>
      %dma_start3A_37 = arith.constant 0 : i32
      %dma_start3A_38 = tpu.memref_slice %arg4[%add3A_25, %dma_start3A_37] : memref<1024x2048xi32, #tpu.memory_space<hbm>> -> memref<16x2048xi32, #tpu.memory_space<hbm>>
      tpu.enqueue_dma source(%arg6 : memref<16x2048xi32, #tpu.memory_space<vmem>>) target(%dma_start3A_38 : memref<16x2048xi32, #tpu.memory_space<hbm>>) target_semaphore(%run_scoped3A : memref<!tpu.dma_semaphore, #tpu.memory_space<semaphore_mem>>)
      %dma_wait3A_39 = arith.constant 0 : i32
      %dma_wait3A_40 = tpu.memref_slice %arg4[%add3A_25, %dma_wait3A_39] : memref<1024x2048xi32, #tpu.memory_space<hbm>> -> memref<16x2048xi32, #tpu.memory_space<hbm>>
      %dma_wait3A_41 = arith.constant 0 : i32
      %dma_wait3A_42 = tpu.memref_slice %arg4[%add3A_25, %dma_wait3A_41] : memref<1024x2048xi32, #tpu.memory_space<hbm>> -> memref<16x2048xi32, #tpu.memory_space<hbm>>
      tpu.wait_dma2 semaphore(%run_scoped3A : memref<!tpu.dma_semaphore, #tpu.memory_space<semaphore_mem>>) src(%arg6 : memref<16x2048xi32, #tpu.memory_space<vmem>>) dst(%dma_wait3A_42 : memref<16x2048xi32, #tpu.memory_space<hbm>>)
      tpu.yield
    }) : () -> ()
    %dma_wait3A_26 = arith.constant 1 : i32
    %dma_wait3A_27 = arith.constant 0 : i32
    %dma_wait3A_28 = tpu.memref_slice %arg5[%dma_wait3A_26, %dma_wait3A_27] : memref<2x16xi32, #tpu.memory_space<vmem>> -> memref<1x16xi32, #tpu.memory_space<vmem>>
    %dma_wait3A_29 = tpu.memref_squeeze %dma_wait3A_28 : memref<1x16xi32, #tpu.memory_space<vmem>> -> memref<16xi32, #tpu.memory_space<vmem>>
    %dma_wait3A_30 = arith.constant 0 : i32
    %dma_wait3A_31 = arith.constant 0 : i32
    %dma_wait3A_32 = tpu.memref_slice %arg2[%dma_wait3A_30, %dma_wait3A_31] : memref<4096x2048xi32, #tpu.memory_space<hbm>> -> memref<4096x2048xi32, #tpu.memory_space<hbm>>
    tpu.wait_indirect_dma semaphore(%arg9 : memref<!tpu.dma_semaphore, #tpu.memory_space<semaphore_mem>>) src(%dma_wait3A_32 : memref<4096x2048xi32, #tpu.memory_space<hbm>>) dst(%arg7 : memref<16x2048xi32, #tpu.memory_space<vmem>>)
    %add3A_33 = arith.constant 16 : i32
    %add3A_34 = arith.addi %mul3A_2, %add3A_33 : i32
    "tpu.region"() ({
      %run_scoped3A = tpu.sem_alloc : memref<!tpu.dma_semaphore, #tpu.memory_space<semaphore_mem>>
      %dma_start3A_35 = arith.constant 0 : i32
      %dma_start3A_36 = tpu.memref_slice %arg4[%add3A_34, %dma_start3A_35] : memref<1024x2048xi32, #tpu.memory_space<hbm>> -> memref<16x2048xi32, #tpu.memory_space<hbm>>
      %dma_start3A_37 = arith.constant 0 : i32
      %dma_start3A_38 = tpu.memref_slice %arg4[%add3A_34, %dma_start3A_37] : memref<1024x2048xi32, #tpu.memory_space<hbm>> -> memref<16x2048xi32, #tpu.memory_space<hbm>>
      tpu.enqueue_dma source(%arg7 : memref<16x2048xi32, #tpu.memory_space<vmem>>) target(%dma_start3A_38 : memref<16x2048xi32, #tpu.memory_space<hbm>>) target_semaphore(%run_scoped3A : memref<!tpu.dma_semaphore, #tpu.memory_space<semaphore_mem>>)
      %dma_wait3A_39 = arith.constant 0 : i32
      %dma_wait3A_40 = tpu.memref_slice %arg4[%add3A_34, %dma_wait3A_39] : memref<1024x2048xi32, #tpu.memory_space<hbm>> -> memref<16x2048xi32, #tpu.memory_space<hbm>>
      %dma_wait3A_41 = arith.constant 0 : i32
      %dma_wait3A_42 = tpu.memref_slice %arg4[%add3A_34, %dma_wait3A_41] : memref<1024x2048xi32, #tpu.memory_space<hbm>> -> memref<16x2048xi32, #tpu.memory_space<hbm>>
      tpu.wait_dma2 semaphore(%run_scoped3A : memref<!tpu.dma_semaphore, #tpu.memory_space<semaphore_mem>>) src(%arg7 : memref<16x2048xi32, #tpu.memory_space<vmem>>) dst(%dma_wait3A_42 : memref<16x2048xi32, #tpu.memory_space<hbm>>)
      tpu.yield
    }) : () -> ()
    return
  }
}

#map = affine_map<(d0, d1) -> (0, 0)>
#map1 = affine_map<(d0, d1) -> (0)>
module attributes {stable_mosaic.version = 14 : i64} {
  func.func @_sc_gather_a_body(%arg0: i32, %arg1: i32, %arg2: memref<4096x640xf32, #tpu.memory_space<hbm>>, %arg3: memref<4096x4096xf32, #tpu.memory_space<hbm>>, %arg4: memref<1024xi32, #tpu.memory_space<hbm>>, %arg5: memref<128x8xi32, #tpu.memory_space<hbm>>, %arg6: memref<1024x512xf32, #tpu.memory_space<hbm>>, %arg7: memref<1024x128xf32, #tpu.memory_space<hbm>>, %arg8: memref<1024x4096xf32, #tpu.memory_space<hbm>>, %arg9: memref<32xi32, #tpu.memory_space<vmem>>, %arg10: memref<4x8xi32, #tpu.memory_space<vmem>>, %arg11: memref<32x640xf32, #tpu.memory_space<vmem>>, %arg12: memref<8x4096xf32, #tpu.memory_space<vmem>>, %arg13: memref<8x4096xf32, #tpu.memory_space<vmem>>, %arg14: memref<!tpu.dma_semaphore, #tpu.memory_space<semaphore_mem>>, %arg15: memref<!tpu.dma_semaphore, #tpu.memory_space<semaphore_mem>>, %arg16: memref<!tpu.dma_semaphore, #tpu.memory_space<semaphore_mem>>) attributes {dimension_semantics = [#tpu.dimension_semantics<core_parallel>, #tpu.dimension_semantics<subcore_parallel>], iteration_bounds = array<i64: 2, 16>, scalar_prefetch = 0 : i64, scratch_operands = 8 : i64, tpu.core_type = #tpu.core_type<sc_vector_subcore>, window_params = [{transform_indices = #map}, {transform_indices = #map}, {transform_indices = #map1}, {transform_indices = #map}, {transform_indices = #map}, {transform_indices = #map}, {transform_indices = #map}]} {
    %mul3A = arith.constant 2 : i32
    %mul3A_0 = arith.muli %arg1, %mul3A : i32
    %add3A = arith.addi %mul3A_0, %arg0 : i32
    %mul3A_1 = arith.constant 32 : i32
    %mul3A_2 = arith.muli %add3A, %mul3A_1 : i32
    "tpu.region"() ({
      %run_scoped3A = tpu.sem_alloc : memref<!tpu.dma_semaphore, #tpu.memory_space<semaphore_mem>>
      %dma_start3A_73 = tpu.memref_slice %arg4[%mul3A_2] : memref<1024xi32, #tpu.memory_space<hbm>> -> memref<32xi32, #tpu.memory_space<hbm>>
      %dma_start3A_74 = tpu.memref_slice %arg4[%mul3A_2] : memref<1024xi32, #tpu.memory_space<hbm>> -> memref<32xi32, #tpu.memory_space<hbm>>
      tpu.enqueue_dma source(%dma_start3A_74 : memref<32xi32, #tpu.memory_space<hbm>>) target(%arg9 : memref<32xi32, #tpu.memory_space<vmem>>) target_semaphore(%run_scoped3A : memref<!tpu.dma_semaphore, #tpu.memory_space<semaphore_mem>>)
      %dma_wait3A_75 = tpu.memref_slice %arg4[%mul3A_2] : memref<1024xi32, #tpu.memory_space<hbm>> -> memref<32xi32, #tpu.memory_space<hbm>>
      %dma_wait3A_76 = tpu.memref_slice %arg4[%mul3A_2] : memref<1024xi32, #tpu.memory_space<hbm>> -> memref<32xi32, #tpu.memory_space<hbm>>
      tpu.wait_dma2 semaphore(%run_scoped3A : memref<!tpu.dma_semaphore, #tpu.memory_space<semaphore_mem>>) src(%dma_wait3A_76 : memref<32xi32, #tpu.memory_space<hbm>>) dst(%arg9 : memref<32xi32, #tpu.memory_space<vmem>>)
      tpu.yield
    }) : () -> ()
    %mul3A_3 = arith.constant 4 : i32
    %mul3A_4 = arith.muli %add3A, %mul3A_3 : i32
    "tpu.region"() ({
      %run_scoped3A = tpu.sem_alloc : memref<!tpu.dma_semaphore, #tpu.memory_space<semaphore_mem>>
      %dma_start3A_73 = arith.constant 0 : i32
      %dma_start3A_74 = tpu.memref_slice %arg5[%mul3A_4, %dma_start3A_73] : memref<128x8xi32, #tpu.memory_space<hbm>> -> memref<4x8xi32, #tpu.memory_space<hbm>>
      %dma_start3A_75 = arith.constant 0 : i32
      %dma_start3A_76 = tpu.memref_slice %arg5[%mul3A_4, %dma_start3A_75] : memref<128x8xi32, #tpu.memory_space<hbm>> -> memref<4x8xi32, #tpu.memory_space<hbm>>
      tpu.enqueue_dma source(%dma_start3A_76 : memref<4x8xi32, #tpu.memory_space<hbm>>) target(%arg10 : memref<4x8xi32, #tpu.memory_space<vmem>>) target_semaphore(%run_scoped3A : memref<!tpu.dma_semaphore, #tpu.memory_space<semaphore_mem>>)
      %dma_wait3A_77 = arith.constant 0 : i32
      %dma_wait3A_78 = tpu.memref_slice %arg5[%mul3A_4, %dma_wait3A_77] : memref<128x8xi32, #tpu.memory_space<hbm>> -> memref<4x8xi32, #tpu.memory_space<hbm>>
      %dma_wait3A_79 = arith.constant 0 : i32
      %dma_wait3A_80 = tpu.memref_slice %arg5[%mul3A_4, %dma_wait3A_79] : memref<128x8xi32, #tpu.memory_space<hbm>> -> memref<4x8xi32, #tpu.memory_space<hbm>>
      tpu.wait_dma2 semaphore(%run_scoped3A : memref<!tpu.dma_semaphore, #tpu.memory_space<semaphore_mem>>) src(%dma_wait3A_80 : memref<4x8xi32, #tpu.memory_space<hbm>>) dst(%arg10 : memref<4x8xi32, #tpu.memory_space<vmem>>)
      tpu.yield
    }) : () -> ()
    %dma_start3A = arith.constant 0 : i32
    %dma_start3A_5 = arith.constant 0 : i32
    %dma_start3A_6 = tpu.memref_slice %arg2[%dma_start3A, %dma_start3A_5] : memref<4096x640xf32, #tpu.memory_space<hbm>> -> memref<4096x640xf32, #tpu.memory_space<hbm>>
    tpu.enqueue_indirect_dma source(%dma_start3A_6 : memref<4096x640xf32, #tpu.memory_space<hbm>>) target(%arg11 : memref<32x640xf32, #tpu.memory_space<vmem>>) offsets(%arg9 : memref<32xi32, #tpu.memory_space<vmem>>) semaphore(%arg14 : memref<!tpu.dma_semaphore, #tpu.memory_space<semaphore_mem>>)
    %dma_start3A_7 = arith.constant 0 : i32
    %dma_start3A_8 = arith.constant 0 : i32
    %dma_start3A_9 = tpu.memref_slice %arg10[%dma_start3A_7, %dma_start3A_8] : memref<4x8xi32, #tpu.memory_space<vmem>> -> memref<1x8xi32, #tpu.memory_space<vmem>>
    %dma_start3A_10 = tpu.memref_squeeze %dma_start3A_9 : memref<1x8xi32, #tpu.memory_space<vmem>> -> memref<8xi32, #tpu.memory_space<vmem>>
    %dma_start3A_11 = arith.constant 0 : i32
    %dma_start3A_12 = arith.constant 0 : i32
    %dma_start3A_13 = tpu.memref_slice %arg3[%dma_start3A_11, %dma_start3A_12] : memref<4096x4096xf32, #tpu.memory_space<hbm>> -> memref<4096x4096xf32, #tpu.memory_space<hbm>>
    tpu.enqueue_indirect_dma source(%dma_start3A_13 : memref<4096x4096xf32, #tpu.memory_space<hbm>>) target(%arg12 : memref<8x4096xf32, #tpu.memory_space<vmem>>) offsets(%dma_start3A_10 : memref<8xi32, #tpu.memory_space<vmem>>) semaphore(%arg15 : memref<!tpu.dma_semaphore, #tpu.memory_space<semaphore_mem>>)
    %dma_start3A_14 = arith.constant 1 : i32
    %dma_start3A_15 = arith.constant 0 : i32
    %dma_start3A_16 = tpu.memref_slice %arg10[%dma_start3A_14, %dma_start3A_15] : memref<4x8xi32, #tpu.memory_space<vmem>> -> memref<1x8xi32, #tpu.memory_space<vmem>>
    %dma_start3A_17 = tpu.memref_squeeze %dma_start3A_16 : memref<1x8xi32, #tpu.memory_space<vmem>> -> memref<8xi32, #tpu.memory_space<vmem>>
    %dma_start3A_18 = arith.constant 0 : i32
    %dma_start3A_19 = arith.constant 0 : i32
    %dma_start3A_20 = tpu.memref_slice %arg3[%dma_start3A_18, %dma_start3A_19] : memref<4096x4096xf32, #tpu.memory_space<hbm>> -> memref<4096x4096xf32, #tpu.memory_space<hbm>>
    tpu.enqueue_indirect_dma source(%dma_start3A_20 : memref<4096x4096xf32, #tpu.memory_space<hbm>>) target(%arg13 : memref<8x4096xf32, #tpu.memory_space<vmem>>) offsets(%dma_start3A_17 : memref<8xi32, #tpu.memory_space<vmem>>) semaphore(%arg16 : memref<!tpu.dma_semaphore, #tpu.memory_space<semaphore_mem>>)
    %dma_wait3A = arith.constant 0 : i32
    %dma_wait3A_21 = arith.constant 0 : i32
    %dma_wait3A_22 = tpu.memref_slice %arg10[%dma_wait3A, %dma_wait3A_21] : memref<4x8xi32, #tpu.memory_space<vmem>> -> memref<1x8xi32, #tpu.memory_space<vmem>>
    %dma_wait3A_23 = tpu.memref_squeeze %dma_wait3A_22 : memref<1x8xi32, #tpu.memory_space<vmem>> -> memref<8xi32, #tpu.memory_space<vmem>>
    %dma_wait3A_24 = arith.constant 0 : i32
    %dma_wait3A_25 = arith.constant 0 : i32
    %dma_wait3A_26 = tpu.memref_slice %arg3[%dma_wait3A_24, %dma_wait3A_25] : memref<4096x4096xf32, #tpu.memory_space<hbm>> -> memref<4096x4096xf32, #tpu.memory_space<hbm>>
    tpu.wait_indirect_dma semaphore(%arg15 : memref<!tpu.dma_semaphore, #tpu.memory_space<semaphore_mem>>) src(%dma_wait3A_26 : memref<4096x4096xf32, #tpu.memory_space<hbm>>) dst(%arg12 : memref<8x4096xf32, #tpu.memory_space<vmem>>)
    %add3A_27 = arith.constant 0 : i32
    %add3A_28 = arith.addi %mul3A_2, %add3A_27 : i32
    "tpu.region"() ({
      %run_scoped3A = tpu.sem_alloc : memref<!tpu.dma_semaphore, #tpu.memory_space<semaphore_mem>>
      %dma_start3A_73 = arith.constant 0 : i32
      %dma_start3A_74 = tpu.memref_slice %arg8[%add3A_28, %dma_start3A_73] : memref<1024x4096xf32, #tpu.memory_space<hbm>> -> memref<8x4096xf32, #tpu.memory_space<hbm>>
      %dma_start3A_75 = arith.constant 0 : i32
      %dma_start3A_76 = tpu.memref_slice %arg8[%add3A_28, %dma_start3A_75] : memref<1024x4096xf32, #tpu.memory_space<hbm>> -> memref<8x4096xf32, #tpu.memory_space<hbm>>
      tpu.enqueue_dma source(%arg12 : memref<8x4096xf32, #tpu.memory_space<vmem>>) target(%dma_start3A_76 : memref<8x4096xf32, #tpu.memory_space<hbm>>) target_semaphore(%run_scoped3A : memref<!tpu.dma_semaphore, #tpu.memory_space<semaphore_mem>>)
      %dma_wait3A_77 = arith.constant 0 : i32
      %dma_wait3A_78 = tpu.memref_slice %arg8[%add3A_28, %dma_wait3A_77] : memref<1024x4096xf32, #tpu.memory_space<hbm>> -> memref<8x4096xf32, #tpu.memory_space<hbm>>
      %dma_wait3A_79 = arith.constant 0 : i32
      %dma_wait3A_80 = tpu.memref_slice %arg8[%add3A_28, %dma_wait3A_79] : memref<1024x4096xf32, #tpu.memory_space<hbm>> -> memref<8x4096xf32, #tpu.memory_space<hbm>>
      tpu.wait_dma2 semaphore(%run_scoped3A : memref<!tpu.dma_semaphore, #tpu.memory_space<semaphore_mem>>) src(%arg12 : memref<8x4096xf32, #tpu.memory_space<vmem>>) dst(%dma_wait3A_80 : memref<8x4096xf32, #tpu.memory_space<hbm>>)
      tpu.yield
    }) : () -> ()
    %dma_start3A_29 = arith.constant 2 : i32
    %dma_start3A_30 = arith.constant 0 : i32
    %dma_start3A_31 = tpu.memref_slice %arg10[%dma_start3A_29, %dma_start3A_30] : memref<4x8xi32, #tpu.memory_space<vmem>> -> memref<1x8xi32, #tpu.memory_space<vmem>>
    %dma_start3A_32 = tpu.memref_squeeze %dma_start3A_31 : memref<1x8xi32, #tpu.memory_space<vmem>> -> memref<8xi32, #tpu.memory_space<vmem>>
    %dma_start3A_33 = arith.constant 0 : i32
    %dma_start3A_34 = arith.constant 0 : i32
    %dma_start3A_35 = tpu.memref_slice %arg3[%dma_start3A_33, %dma_start3A_34] : memref<4096x4096xf32, #tpu.memory_space<hbm>> -> memref<4096x4096xf32, #tpu.memory_space<hbm>>
    tpu.enqueue_indirect_dma source(%dma_start3A_35 : memref<4096x4096xf32, #tpu.memory_space<hbm>>) target(%arg12 : memref<8x4096xf32, #tpu.memory_space<vmem>>) offsets(%dma_start3A_32 : memref<8xi32, #tpu.memory_space<vmem>>) semaphore(%arg15 : memref<!tpu.dma_semaphore, #tpu.memory_space<semaphore_mem>>)
    %dma_wait3A_36 = arith.constant 1 : i32
    %dma_wait3A_37 = arith.constant 0 : i32
    %dma_wait3A_38 = tpu.memref_slice %arg10[%dma_wait3A_36, %dma_wait3A_37] : memref<4x8xi32, #tpu.memory_space<vmem>> -> memref<1x8xi32, #tpu.memory_space<vmem>>
    %dma_wait3A_39 = tpu.memref_squeeze %dma_wait3A_38 : memref<1x8xi32, #tpu.memory_space<vmem>> -> memref<8xi32, #tpu.memory_space<vmem>>
    %dma_wait3A_40 = arith.constant 0 : i32
    %dma_wait3A_41 = arith.constant 0 : i32
    %dma_wait3A_42 = tpu.memref_slice %arg3[%dma_wait3A_40, %dma_wait3A_41] : memref<4096x4096xf32, #tpu.memory_space<hbm>> -> memref<4096x4096xf32, #tpu.memory_space<hbm>>
    tpu.wait_indirect_dma semaphore(%arg16 : memref<!tpu.dma_semaphore, #tpu.memory_space<semaphore_mem>>) src(%dma_wait3A_42 : memref<4096x4096xf32, #tpu.memory_space<hbm>>) dst(%arg13 : memref<8x4096xf32, #tpu.memory_space<vmem>>)
    %add3A_43 = arith.constant 8 : i32
    %add3A_44 = arith.addi %mul3A_2, %add3A_43 : i32
    "tpu.region"() ({
      %run_scoped3A = tpu.sem_alloc : memref<!tpu.dma_semaphore, #tpu.memory_space<semaphore_mem>>
      %dma_start3A_73 = arith.constant 0 : i32
      %dma_start3A_74 = tpu.memref_slice %arg8[%add3A_44, %dma_start3A_73] : memref<1024x4096xf32, #tpu.memory_space<hbm>> -> memref<8x4096xf32, #tpu.memory_space<hbm>>
      %dma_start3A_75 = arith.constant 0 : i32
      %dma_start3A_76 = tpu.memref_slice %arg8[%add3A_44, %dma_start3A_75] : memref<1024x4096xf32, #tpu.memory_space<hbm>> -> memref<8x4096xf32, #tpu.memory_space<hbm>>
      tpu.enqueue_dma source(%arg13 : memref<8x4096xf32, #tpu.memory_space<vmem>>) target(%dma_start3A_76 : memref<8x4096xf32, #tpu.memory_space<hbm>>) target_semaphore(%run_scoped3A : memref<!tpu.dma_semaphore, #tpu.memory_space<semaphore_mem>>)
      %dma_wait3A_77 = arith.constant 0 : i32
      %dma_wait3A_78 = tpu.memref_slice %arg8[%add3A_44, %dma_wait3A_77] : memref<1024x4096xf32, #tpu.memory_space<hbm>> -> memref<8x4096xf32, #tpu.memory_space<hbm>>
      %dma_wait3A_79 = arith.constant 0 : i32
      %dma_wait3A_80 = tpu.memref_slice %arg8[%add3A_44, %dma_wait3A_79] : memref<1024x4096xf32, #tpu.memory_space<hbm>> -> memref<8x4096xf32, #tpu.memory_space<hbm>>
      tpu.wait_dma2 semaphore(%run_scoped3A : memref<!tpu.dma_semaphore, #tpu.memory_space<semaphore_mem>>) src(%arg13 : memref<8x4096xf32, #tpu.memory_space<vmem>>) dst(%dma_wait3A_80 : memref<8x4096xf32, #tpu.memory_space<hbm>>)
      tpu.yield
    }) : () -> ()
    %dma_start3A_45 = arith.constant 3 : i32
    %dma_start3A_46 = arith.constant 0 : i32
    %dma_start3A_47 = tpu.memref_slice %arg10[%dma_start3A_45, %dma_start3A_46] : memref<4x8xi32, #tpu.memory_space<vmem>> -> memref<1x8xi32, #tpu.memory_space<vmem>>
    %dma_start3A_48 = tpu.memref_squeeze %dma_start3A_47 : memref<1x8xi32, #tpu.memory_space<vmem>> -> memref<8xi32, #tpu.memory_space<vmem>>
    %dma_start3A_49 = arith.constant 0 : i32
    %dma_start3A_50 = arith.constant 0 : i32
    %dma_start3A_51 = tpu.memref_slice %arg3[%dma_start3A_49, %dma_start3A_50] : memref<4096x4096xf32, #tpu.memory_space<hbm>> -> memref<4096x4096xf32, #tpu.memory_space<hbm>>
    tpu.enqueue_indirect_dma source(%dma_start3A_51 : memref<4096x4096xf32, #tpu.memory_space<hbm>>) target(%arg13 : memref<8x4096xf32, #tpu.memory_space<vmem>>) offsets(%dma_start3A_48 : memref<8xi32, #tpu.memory_space<vmem>>) semaphore(%arg16 : memref<!tpu.dma_semaphore, #tpu.memory_space<semaphore_mem>>)
    %dma_wait3A_52 = arith.constant 2 : i32
    %dma_wait3A_53 = arith.constant 0 : i32
    %dma_wait3A_54 = tpu.memref_slice %arg10[%dma_wait3A_52, %dma_wait3A_53] : memref<4x8xi32, #tpu.memory_space<vmem>> -> memref<1x8xi32, #tpu.memory_space<vmem>>
    %dma_wait3A_55 = tpu.memref_squeeze %dma_wait3A_54 : memref<1x8xi32, #tpu.memory_space<vmem>> -> memref<8xi32, #tpu.memory_space<vmem>>
    %dma_wait3A_56 = arith.constant 0 : i32
    %dma_wait3A_57 = arith.constant 0 : i32
    %dma_wait3A_58 = tpu.memref_slice %arg3[%dma_wait3A_56, %dma_wait3A_57] : memref<4096x4096xf32, #tpu.memory_space<hbm>> -> memref<4096x4096xf32, #tpu.memory_space<hbm>>
    tpu.wait_indirect_dma semaphore(%arg15 : memref<!tpu.dma_semaphore, #tpu.memory_space<semaphore_mem>>) src(%dma_wait3A_58 : memref<4096x4096xf32, #tpu.memory_space<hbm>>) dst(%arg12 : memref<8x4096xf32, #tpu.memory_space<vmem>>)
    %add3A_59 = arith.constant 16 : i32
    %add3A_60 = arith.addi %mul3A_2, %add3A_59 : i32
    "tpu.region"() ({
      %run_scoped3A = tpu.sem_alloc : memref<!tpu.dma_semaphore, #tpu.memory_space<semaphore_mem>>
      %dma_start3A_73 = arith.constant 0 : i32
      %dma_start3A_74 = tpu.memref_slice %arg8[%add3A_60, %dma_start3A_73] : memref<1024x4096xf32, #tpu.memory_space<hbm>> -> memref<8x4096xf32, #tpu.memory_space<hbm>>
      %dma_start3A_75 = arith.constant 0 : i32
      %dma_start3A_76 = tpu.memref_slice %arg8[%add3A_60, %dma_start3A_75] : memref<1024x4096xf32, #tpu.memory_space<hbm>> -> memref<8x4096xf32, #tpu.memory_space<hbm>>
      tpu.enqueue_dma source(%arg12 : memref<8x4096xf32, #tpu.memory_space<vmem>>) target(%dma_start3A_76 : memref<8x4096xf32, #tpu.memory_space<hbm>>) target_semaphore(%run_scoped3A : memref<!tpu.dma_semaphore, #tpu.memory_space<semaphore_mem>>)
      %dma_wait3A_77 = arith.constant 0 : i32
      %dma_wait3A_78 = tpu.memref_slice %arg8[%add3A_60, %dma_wait3A_77] : memref<1024x4096xf32, #tpu.memory_space<hbm>> -> memref<8x4096xf32, #tpu.memory_space<hbm>>
      %dma_wait3A_79 = arith.constant 0 : i32
      %dma_wait3A_80 = tpu.memref_slice %arg8[%add3A_60, %dma_wait3A_79] : memref<1024x4096xf32, #tpu.memory_space<hbm>> -> memref<8x4096xf32, #tpu.memory_space<hbm>>
      tpu.wait_dma2 semaphore(%run_scoped3A : memref<!tpu.dma_semaphore, #tpu.memory_space<semaphore_mem>>) src(%arg12 : memref<8x4096xf32, #tpu.memory_space<vmem>>) dst(%dma_wait3A_80 : memref<8x4096xf32, #tpu.memory_space<hbm>>)
      tpu.yield
    }) : () -> ()
    %dma_wait3A_61 = arith.constant 3 : i32
    %dma_wait3A_62 = arith.constant 0 : i32
    %dma_wait3A_63 = tpu.memref_slice %arg10[%dma_wait3A_61, %dma_wait3A_62] : memref<4x8xi32, #tpu.memory_space<vmem>> -> memref<1x8xi32, #tpu.memory_space<vmem>>
    %dma_wait3A_64 = tpu.memref_squeeze %dma_wait3A_63 : memref<1x8xi32, #tpu.memory_space<vmem>> -> memref<8xi32, #tpu.memory_space<vmem>>
    %dma_wait3A_65 = arith.constant 0 : i32
    %dma_wait3A_66 = arith.constant 0 : i32
    %dma_wait3A_67 = tpu.memref_slice %arg3[%dma_wait3A_65, %dma_wait3A_66] : memref<4096x4096xf32, #tpu.memory_space<hbm>> -> memref<4096x4096xf32, #tpu.memory_space<hbm>>
    tpu.wait_indirect_dma semaphore(%arg16 : memref<!tpu.dma_semaphore, #tpu.memory_space<semaphore_mem>>) src(%dma_wait3A_67 : memref<4096x4096xf32, #tpu.memory_space<hbm>>) dst(%arg13 : memref<8x4096xf32, #tpu.memory_space<vmem>>)
    %add3A_68 = arith.constant 24 : i32
    %add3A_69 = arith.addi %mul3A_2, %add3A_68 : i32
    "tpu.region"() ({
      %run_scoped3A = tpu.sem_alloc : memref<!tpu.dma_semaphore, #tpu.memory_space<semaphore_mem>>
      %dma_start3A_73 = arith.constant 0 : i32
      %dma_start3A_74 = tpu.memref_slice %arg8[%add3A_69, %dma_start3A_73] : memref<1024x4096xf32, #tpu.memory_space<hbm>> -> memref<8x4096xf32, #tpu.memory_space<hbm>>
      %dma_start3A_75 = arith.constant 0 : i32
      %dma_start3A_76 = tpu.memref_slice %arg8[%add3A_69, %dma_start3A_75] : memref<1024x4096xf32, #tpu.memory_space<hbm>> -> memref<8x4096xf32, #tpu.memory_space<hbm>>
      tpu.enqueue_dma source(%arg13 : memref<8x4096xf32, #tpu.memory_space<vmem>>) target(%dma_start3A_76 : memref<8x4096xf32, #tpu.memory_space<hbm>>) target_semaphore(%run_scoped3A : memref<!tpu.dma_semaphore, #tpu.memory_space<semaphore_mem>>)
      %dma_wait3A_77 = arith.constant 0 : i32
      %dma_wait3A_78 = tpu.memref_slice %arg8[%add3A_69, %dma_wait3A_77] : memref<1024x4096xf32, #tpu.memory_space<hbm>> -> memref<8x4096xf32, #tpu.memory_space<hbm>>
      %dma_wait3A_79 = arith.constant 0 : i32
      %dma_wait3A_80 = tpu.memref_slice %arg8[%add3A_69, %dma_wait3A_79] : memref<1024x4096xf32, #tpu.memory_space<hbm>> -> memref<8x4096xf32, #tpu.memory_space<hbm>>
      tpu.wait_dma2 semaphore(%run_scoped3A : memref<!tpu.dma_semaphore, #tpu.memory_space<semaphore_mem>>) src(%arg13 : memref<8x4096xf32, #tpu.memory_space<vmem>>) dst(%dma_wait3A_80 : memref<8x4096xf32, #tpu.memory_space<hbm>>)
      tpu.yield
    }) : () -> ()
    %dma_wait3A_70 = arith.constant 0 : i32
    %dma_wait3A_71 = arith.constant 0 : i32
    %dma_wait3A_72 = tpu.memref_slice %arg2[%dma_wait3A_70, %dma_wait3A_71] : memref<4096x640xf32, #tpu.memory_space<hbm>> -> memref<4096x640xf32, #tpu.memory_space<hbm>>
    tpu.wait_indirect_dma semaphore(%arg14 : memref<!tpu.dma_semaphore, #tpu.memory_space<semaphore_mem>>) src(%dma_wait3A_72 : memref<4096x640xf32, #tpu.memory_space<hbm>>) dst(%arg11 : memref<32x640xf32, #tpu.memory_space<vmem>>)
    "tpu.region"() ({
      %run_scoped3A = tpu.sem_alloc : memref<!tpu.dma_semaphore, #tpu.memory_space<semaphore_mem>>
      %dma_start3A_73 = arith.constant 0 : i32
      %dma_start3A_74 = arith.constant 0 : i32
      %dma_start3A_75 = tpu.memref_slice %arg11[%dma_start3A_73, %dma_start3A_74] : memref<32x640xf32, #tpu.memory_space<vmem>> -> memref<32x512xf32, #tpu.memory_space<vmem>>
      %dma_start3A_76 = arith.constant 0 : i32
      %dma_start3A_77 = tpu.memref_slice %arg6[%mul3A_2, %dma_start3A_76] : memref<1024x512xf32, #tpu.memory_space<hbm>> -> memref<32x512xf32, #tpu.memory_space<hbm>>
      %dma_start3A_78 = arith.constant 0 : i32
      %dma_start3A_79 = tpu.memref_slice %arg6[%mul3A_2, %dma_start3A_78] : memref<1024x512xf32, #tpu.memory_space<hbm>> -> memref<32x512xf32, #tpu.memory_space<hbm>>
      %dma_start3A_80 = arith.constant 0 : i32
      %dma_start3A_81 = arith.constant 0 : i32
      %dma_start3A_82 = tpu.memref_slice %arg11[%dma_start3A_80, %dma_start3A_81] : memref<32x640xf32, #tpu.memory_space<vmem>> -> memref<32x512xf32, #tpu.memory_space<vmem>>
      tpu.enqueue_dma source(%dma_start3A_82 : memref<32x512xf32, #tpu.memory_space<vmem>>) target(%dma_start3A_79 : memref<32x512xf32, #tpu.memory_space<hbm>>) target_semaphore(%run_scoped3A : memref<!tpu.dma_semaphore, #tpu.memory_space<semaphore_mem>>)
      %dma_wait3A_83 = arith.constant 0 : i32
      %dma_wait3A_84 = arith.constant 0 : i32
      %dma_wait3A_85 = tpu.memref_slice %arg11[%dma_wait3A_83, %dma_wait3A_84] : memref<32x640xf32, #tpu.memory_space<vmem>> -> memref<32x512xf32, #tpu.memory_space<vmem>>
      %dma_wait3A_86 = arith.constant 0 : i32
      %dma_wait3A_87 = tpu.memref_slice %arg6[%mul3A_2, %dma_wait3A_86] : memref<1024x512xf32, #tpu.memory_space<hbm>> -> memref<32x512xf32, #tpu.memory_space<hbm>>
      %dma_wait3A_88 = arith.constant 0 : i32
      %dma_wait3A_89 = tpu.memref_slice %arg6[%mul3A_2, %dma_wait3A_88] : memref<1024x512xf32, #tpu.memory_space<hbm>> -> memref<32x512xf32, #tpu.memory_space<hbm>>
      %dma_wait3A_90 = arith.constant 0 : i32
      %dma_wait3A_91 = arith.constant 0 : i32
      %dma_wait3A_92 = tpu.memref_slice %arg11[%dma_wait3A_90, %dma_wait3A_91] : memref<32x640xf32, #tpu.memory_space<vmem>> -> memref<32x512xf32, #tpu.memory_space<vmem>>
      tpu.wait_dma2 semaphore(%run_scoped3A : memref<!tpu.dma_semaphore, #tpu.memory_space<semaphore_mem>>) src(%dma_wait3A_92 : memref<32x512xf32, #tpu.memory_space<vmem>>) dst(%dma_wait3A_89 : memref<32x512xf32, #tpu.memory_space<hbm>>)
      tpu.yield
    }) : () -> ()
    "tpu.region"() ({
      %run_scoped3A = tpu.sem_alloc : memref<!tpu.dma_semaphore, #tpu.memory_space<semaphore_mem>>
      %dma_start3A_73 = arith.constant 0 : i32
      %dma_start3A_74 = arith.constant 512 : i32
      %dma_start3A_75 = tpu.memref_slice %arg11[%dma_start3A_73, %dma_start3A_74] : memref<32x640xf32, #tpu.memory_space<vmem>> -> memref<32x128xf32, #tpu.memory_space<vmem>>
      %dma_start3A_76 = arith.constant 0 : i32
      %dma_start3A_77 = tpu.memref_slice %arg7[%mul3A_2, %dma_start3A_76] : memref<1024x128xf32, #tpu.memory_space<hbm>> -> memref<32x128xf32, #tpu.memory_space<hbm>>
      %dma_start3A_78 = arith.constant 0 : i32
      %dma_start3A_79 = tpu.memref_slice %arg7[%mul3A_2, %dma_start3A_78] : memref<1024x128xf32, #tpu.memory_space<hbm>> -> memref<32x128xf32, #tpu.memory_space<hbm>>
      %dma_start3A_80 = arith.constant 0 : i32
      %dma_start3A_81 = arith.constant 512 : i32
      %dma_start3A_82 = tpu.memref_slice %arg11[%dma_start3A_80, %dma_start3A_81] : memref<32x640xf32, #tpu.memory_space<vmem>> -> memref<32x128xf32, #tpu.memory_space<vmem>>
      tpu.enqueue_dma source(%dma_start3A_82 : memref<32x128xf32, #tpu.memory_space<vmem>>) target(%dma_start3A_79 : memref<32x128xf32, #tpu.memory_space<hbm>>) target_semaphore(%run_scoped3A : memref<!tpu.dma_semaphore, #tpu.memory_space<semaphore_mem>>)
      %dma_wait3A_83 = arith.constant 0 : i32
      %dma_wait3A_84 = arith.constant 512 : i32
      %dma_wait3A_85 = tpu.memref_slice %arg11[%dma_wait3A_83, %dma_wait3A_84] : memref<32x640xf32, #tpu.memory_space<vmem>> -> memref<32x128xf32, #tpu.memory_space<vmem>>
      %dma_wait3A_86 = arith.constant 0 : i32
      %dma_wait3A_87 = tpu.memref_slice %arg7[%mul3A_2, %dma_wait3A_86] : memref<1024x128xf32, #tpu.memory_space<hbm>> -> memref<32x128xf32, #tpu.memory_space<hbm>>
      %dma_wait3A_88 = arith.constant 0 : i32
      %dma_wait3A_89 = tpu.memref_slice %arg7[%mul3A_2, %dma_wait3A_88] : memref<1024x128xf32, #tpu.memory_space<hbm>> -> memref<32x128xf32, #tpu.memory_space<hbm>>
      %dma_wait3A_90 = arith.constant 0 : i32
      %dma_wait3A_91 = arith.constant 512 : i32
      %dma_wait3A_92 = tpu.memref_slice %arg11[%dma_wait3A_90, %dma_wait3A_91] : memref<32x640xf32, #tpu.memory_space<vmem>> -> memref<32x128xf32, #tpu.memory_space<vmem>>
      tpu.wait_dma2 semaphore(%run_scoped3A : memref<!tpu.dma_semaphore, #tpu.memory_space<semaphore_mem>>) src(%dma_wait3A_92 : memref<32x128xf32, #tpu.memory_space<vmem>>) dst(%dma_wait3A_89 : memref<32x128xf32, #tpu.memory_space<hbm>>)
      tpu.yield
    }) : () -> ()
    return
  }
}

module attributes {stable_mosaic.version = 14 : i64} {
  func.func @_head_body(%arg0: memref<4096x512xf32, #tpu.memory_space<vmem>>, %arg1: memref<512x1xf32, #tpu.memory_space<vmem>>, %arg2: memref<4096x1xi32, #tpu.memory_space<vmem>>, %arg3: memref<4096x640xf32, #tpu.memory_space<vmem>>, %arg4: memref<1024x1xi32, #tpu.memory_space<vmem>>) attributes {dimension_semantics = [], scalar_prefetch = 0 : i64, scratch_operands = 0 : i64, tpu.core_type = #tpu.core_type<tc>} {
    %get3A = arith.constant 0 : index
    %get3A_0 = arith.constant 0 : index
    %get3A_1 = vector.load %arg1[%get3A, %get3A_0] : memref<512x1xf32, #tpu.memory_space<vmem>>, vector<512x1xf32>
    %mul3A = arith.mulf %get3A_1, %get3A_1 : vector<512x1xf32>
    %reduce_sum3A = vector.shape_cast %mul3A : vector<512x1xf32> to vector<1x512x1xf32>
    %reduce_sum3A_2 = arith.constant dense<0.000000e+00> : vector<1xf32>
    %reduce_sum3A_3 = vector.multi_reduction <add>, %reduce_sum3A, %reduce_sum3A_2 [1, 2] : vector<1x512x1xf32> to vector<1xf32>
    %reduce_sum3A_4 = vector.shape_cast %reduce_sum3A_3 : vector<1xf32> to vector<1x1x1xf32>
    %reduce_sum3A_5 = vector.extract %reduce_sum3A_4[0, 0, 0] : f32 from vector<1x1x1xf32>
    %max3A = arith.constant 9.99999996E-13 : f32
    %max3A_6 = arith.maximumf %reduce_sum3A_5, %max3A : f32
    %rsqrt3A = math.rsqrt %max3A_6 : f32
    %get3A_7 = arith.constant 0 : index
    %get3A_8 = arith.constant 0 : index
    %get3A_9 = vector.load %arg0[%get3A_7, %get3A_8] : memref<4096x512xf32, #tpu.memory_space<vmem>>, vector<4096x512xf32>
    %mul3A_10 = vector.broadcast %rsqrt3A : f32 to vector<512x1xf32>
    %mul3A_11 = arith.mulf %get3A_1, %mul3A_10 : vector<512x1xf32>
    %dot_general3A = arith.constant dense<0.000000e+00> : vector<4096x1xf32>
    %dot_general3A_12 = tpu.matmul %get3A_9, %mul3A_11, %dot_general3A {dimension_numbers = #tpu.dot_dimension_numbers<[1], [0], [0], [1], [0, 0, 1, 1], [], []>, transpose_lhs_hint = false} : vector<4096x512xf32>, vector<512x1xf32>, vector<4096x1xf32> -> vector<4096x1xf32>
    %get3A_13 = arith.constant 0 : index
    %get3A_14 = arith.constant 0 : index
    %get3A_15 = vector.load %arg0[%get3A_13, %get3A_14] : memref<4096x512xf32, #tpu.memory_space<vmem>>, vector<4096x512xf32>
    %tanh3A = math.tanh %dot_general3A_12 : vector<4096x1xf32>
    %mul3A_16 = vector.broadcast %tanh3A : vector<4096x1xf32> to vector<4096x512xf32>
    %mul3A_17 = arith.mulf %get3A_15, %mul3A_16 : vector<4096x512xf32>
    %swap3A = arith.constant 0 : index
    %swap3A_18 = arith.constant 0 : index
    %swap3A_19 = vector.load %arg3[%swap3A, %swap3A_18] : memref<4096x640xf32, #tpu.memory_space<vmem>>, vector<4096x512xf32>
    tpu.vector_store %arg3[%swap3A, %swap3A_18], %mul3A_17 {strides = array<i32>} : memref<4096x640xf32, #tpu.memory_space<vmem>>, vector<4096x512xf32>,
    %get3A_20 = arith.constant 0 : index
    %get3A_21 = arith.constant 0 : index
    %get3A_22 = vector.load %arg2[%get3A_20, %get3A_21] : memref<4096x1xi32, #tpu.memory_space<vmem>>, vector<4096x1xi32>
    %bitcast_convert_type3A = tpu.bitcast %get3A_22 : vector<4096x1xi32> -> vector<4096x1xf32>
    %broadcast_in_dim3A = vector.shape_cast %bitcast_convert_type3A : vector<4096x1xf32> to vector<4096x1xf32>
    %broadcast_in_dim3A_23 = vector.broadcast %broadcast_in_dim3A : vector<4096x1xf32> to vector<4096x128xf32>
    %swap3A_24 = arith.constant 0 : index
    %swap3A_25 = arith.constant 512 : index
    %swap3A_26 = vector.load %arg3[%swap3A_24, %swap3A_25] : memref<4096x640xf32, #tpu.memory_space<vmem>>, vector<4096x128xf32>
    tpu.vector_store %arg3[%swap3A_24, %swap3A_25], %broadcast_in_dim3A_23 {strides = array<i32>} : memref<4096x640xf32, #tpu.memory_space<vmem>>, vector<4096x128xf32>,
    %transpose3A = tpu.transpose %dot_general3A_12, [1, 0] : vector<4096x1xf32> -> vector<1x4096xf32>
    %broadcast_in_dim3A_27 = arith.constant 0.000000e+00 : f32
    %broadcast_in_dim3A_28 = vector.broadcast %broadcast_in_dim3A_27 : f32 to vector<1x4096xf32>
    %iota3A = tpu.iota {dimensions = array<i32: 1>} : vector<512x4096xi32>
    %slice3A = vector.extract_strided_slice %dot_general3A_12 {offsets = [0, 0], sizes = [512, 1], strides = [1, 1]} : vector<4096x1xf32> to vector<512x1xf32>
    %iota3A_29 = tpu.iota {dimensions = array<i32: 0>} : vector<512x4096xi32>
    %add3A = arith.constant 0 : i32
    %add3A_30 = vector.broadcast %add3A : i32 to vector<512x4096xi32>
    %add3A_31 = arith.addi %iota3A_29, %add3A_30 : vector<512x4096xi32>
    %gt3A = vector.broadcast %slice3A : vector<512x1xf32> to vector<512x4096xf32>
    %gt3A_32 = vector.broadcast %transpose3A : vector<1x4096xf32> to vector<512x4096xf32>
    %gt3A_33 = arith.cmpf ogt, %gt3A, %gt3A_32 : vector<512x4096xf32>
    %eq3A = vector.broadcast %slice3A : vector<512x1xf32> to vector<512x4096xf32>
    %eq3A_34 = vector.broadcast %transpose3A : vector<1x4096xf32> to vector<512x4096xf32>
    %eq3A_35 = arith.cmpf oeq, %eq3A, %eq3A_34 : vector<512x4096xf32>
    %lt3A = arith.cmpi slt, %add3A_31, %iota3A : vector<512x4096xi32>
    %and3A = arith.andi %eq3A_35, %lt3A : vector<512x4096xi1>
    %or3A = arith.ori %gt3A_33, %and3A : vector<512x4096xi1>
    %convert_element_type3A = arith.extui %or3A : vector<512x4096xi1> to vector<512x4096xi32>
    %convert_element_type3A_36 = arith.sitofp %convert_element_type3A : vector<512x4096xi32> to vector<512x4096xf32>
    %reduce_sum3A_37 = arith.constant dense<0.000000e+00> : vector<4096xf32>
    %reduce_sum3A_38 = vector.multi_reduction <add>, %convert_element_type3A_36, %reduce_sum3A_37 [0] : vector<512x4096xf32> to vector<4096xf32>
    %broadcast_in_dim3A_39 = vector.shape_cast %reduce_sum3A_38 : vector<4096xf32> to vector<1x4096xf32>
    %add3A_40 = arith.addf %broadcast_in_dim3A_28, %broadcast_in_dim3A_39 : vector<1x4096xf32>
    %slice3A_41 = vector.extract_strided_slice %dot_general3A_12 {offsets = [512, 0], sizes = [512, 1], strides = [1, 1]} : vector<4096x1xf32> to vector<512x1xf32>
    %iota3A_42 = tpu.iota {dimensions = array<i32: 0>} : vector<512x4096xi32>
    %add3A_43 = arith.constant 512 : i32
    %add3A_44 = vector.broadcast %add3A_43 : i32 to vector<512x4096xi32>
    %add3A_45 = arith.addi %iota3A_42, %add3A_44 : vector<512x4096xi32>
    %gt3A_46 = vector.broadcast %slice3A_41 : vector<512x1xf32> to vector<512x4096xf32>
    %gt3A_47 = vector.broadcast %transpose3A : vector<1x4096xf32> to vector<512x4096xf32>
    %gt3A_48 = arith.cmpf ogt, %gt3A_46, %gt3A_47 : vector<512x4096xf32>
    %eq3A_49 = vector.broadcast %slice3A_41 : vector<512x1xf32> to vector<512x4096xf32>
    %eq3A_50 = vector.broadcast %transpose3A : vector<1x4096xf32> to vector<512x4096xf32>
    %eq3A_51 = arith.cmpf oeq, %eq3A_49, %eq3A_50 : vector<512x4096xf32>
    %lt3A_52 = arith.cmpi slt, %add3A_45, %iota3A : vector<512x4096xi32>
    %and3A_53 = arith.andi %eq3A_51, %lt3A_52 : vector<512x4096xi1>
    %or3A_54 = arith.ori %gt3A_48, %and3A_53 : vector<512x4096xi1>
    %convert_element_type3A_55 = arith.extui %or3A_54 : vector<512x4096xi1> to vector<512x4096xi32>
    %convert_element_type3A_56 = arith.sitofp %convert_element_type3A_55 : vector<512x4096xi32> to vector<512x4096xf32>
    %reduce_sum3A_57 = arith.constant dense<0.000000e+00> : vector<4096xf32>
    %reduce_sum3A_58 = vector.multi_reduction <add>, %convert_element_type3A_56, %reduce_sum3A_57 [0] : vector<512x4096xf32> to vector<4096xf32>
    %broadcast_in_dim3A_59 = vector.shape_cast %reduce_sum3A_58 : vector<4096xf32> to vector<1x4096xf32>
    %add3A_60 = arith.addf %add3A_40, %broadcast_in_dim3A_59 : vector<1x4096xf32>
    %slice3A_61 = vector.extract_strided_slice %dot_general3A_12 {offsets = [1024, 0], sizes = [512, 1], strides = [1, 1]} : vector<4096x1xf32> to vector<512x1xf32>
    %iota3A_62 = tpu.iota {dimensions = array<i32: 0>} : vector<512x4096xi32>
    %add3A_63 = arith.constant 1024 : i32
    %add3A_64 = vector.broadcast %add3A_63 : i32 to vector<512x4096xi32>
    %add3A_65 = arith.addi %iota3A_62, %add3A_64 : vector<512x4096xi32>
    %gt3A_66 = vector.broadcast %slice3A_61 : vector<512x1xf32> to vector<512x4096xf32>
    %gt3A_67 = vector.broadcast %transpose3A : vector<1x4096xf32> to vector<512x4096xf32>
    %gt3A_68 = arith.cmpf ogt, %gt3A_66, %gt3A_67 : vector<512x4096xf32>
    %eq3A_69 = vector.broadcast %slice3A_61 : vector<512x1xf32> to vector<512x4096xf32>
    %eq3A_70 = vector.broadcast %transpose3A : vector<1x4096xf32> to vector<512x4096xf32>
    %eq3A_71 = arith.cmpf oeq, %eq3A_69, %eq3A_70 : vector<512x4096xf32>
    %lt3A_72 = arith.cmpi slt, %add3A_65, %iota3A : vector<512x4096xi32>
    %and3A_73 = arith.andi %eq3A_71, %lt3A_72 : vector<512x4096xi1>
    %or3A_74 = arith.ori %gt3A_68, %and3A_73 : vector<512x4096xi1>
    %convert_element_type3A_75 = arith.extui %or3A_74 : vector<512x4096xi1> to vector<512x4096xi32>
    %convert_element_type3A_76 = arith.sitofp %convert_element_type3A_75 : vector<512x4096xi32> to vector<512x4096xf32>
    %reduce_sum3A_77 = arith.constant dense<0.000000e+00> : vector<4096xf32>
    %reduce_sum3A_78 = vector.multi_reduction <add>, %convert_element_type3A_76, %reduce_sum3A_77 [0] : vector<512x4096xf32> to vector<4096xf32>
    %broadcast_in_dim3A_79 = vector.shape_cast %reduce_sum3A_78 : vector<4096xf32> to vector<1x4096xf32>
    %add3A_80 = arith.addf %add3A_60, %broadcast_in_dim3A_79 : vector<1x4096xf32>
    %slice3A_81 = vector.extract_strided_slice %dot_general3A_12 {offsets = [1536, 0], sizes = [512, 1], strides = [1, 1]} : vector<4096x1xf32> to vector<512x1xf32>
    %iota3A_82 = tpu.iota {dimensions = array<i32: 0>} : vector<512x4096xi32>
    %add3A_83 = arith.constant 1536 : i32
    %add3A_84 = vector.broadcast %add3A_83 : i32 to vector<512x4096xi32>
    %add3A_85 = arith.addi %iota3A_82, %add3A_84 : vector<512x4096xi32>
    %gt3A_86 = vector.broadcast %slice3A_81 : vector<512x1xf32> to vector<512x4096xf32>
    %gt3A_87 = vector.broadcast %transpose3A : vector<1x4096xf32> to vector<512x4096xf32>
    %gt3A_88 = arith.cmpf ogt, %gt3A_86, %gt3A_87 : vector<512x4096xf32>
    %eq3A_89 = vector.broadcast %slice3A_81 : vector<512x1xf32> to vector<512x4096xf32>
    %eq3A_90 = vector.broadcast %transpose3A : vector<1x4096xf32> to vector<512x4096xf32>
    %eq3A_91 = arith.cmpf oeq, %eq3A_89, %eq3A_90 : vector<512x4096xf32>
    %lt3A_92 = arith.cmpi slt, %add3A_85, %iota3A : vector<512x4096xi32>
    %and3A_93 = arith.andi %eq3A_91, %lt3A_92 : vector<512x4096xi1>
    %or3A_94 = arith.ori %gt3A_88, %and3A_93 : vector<512x4096xi1>
    %convert_element_type3A_95 = arith.extui %or3A_94 : vector<512x4096xi1> to vector<512x4096xi32>
    %convert_element_type3A_96 = arith.sitofp %convert_element_type3A_95 : vector<512x4096xi32> to vector<512x4096xf32>
    %reduce_sum3A_97 = arith.constant dense<0.000000e+00> : vector<4096xf32>
    %reduce_sum3A_98 = vector.multi_reduction <add>, %convert_element_type3A_96, %reduce_sum3A_97 [0] : vector<512x4096xf32> to vector<4096xf32>
    %broadcast_in_dim3A_99 = vector.shape_cast %reduce_sum3A_98 : vector<4096xf32> to vector<1x4096xf32>
    %add3A_100 = arith.addf %add3A_80, %broadcast_in_dim3A_99 : vector<1x4096xf32>
    %slice3A_101 = vector.extract_strided_slice %dot_general3A_12 {offsets = [2048, 0], sizes = [512, 1], strides = [1, 1]} : vector<4096x1xf32> to vector<512x1xf32>
    %iota3A_102 = tpu.iota {dimensions = array<i32: 0>} : vector<512x4096xi32>
    %add3A_103 = arith.constant 2048 : i32
    %add3A_104 = vector.broadcast %add3A_103 : i32 to vector<512x4096xi32>
    %add3A_105 = arith.addi %iota3A_102, %add3A_104 : vector<512x4096xi32>
    %gt3A_106 = vector.broadcast %slice3A_101 : vector<512x1xf32> to vector<512x4096xf32>
    %gt3A_107 = vector.broadcast %transpose3A : vector<1x4096xf32> to vector<512x4096xf32>
    %gt3A_108 = arith.cmpf ogt, %gt3A_106, %gt3A_107 : vector<512x4096xf32>
    %eq3A_109 = vector.broadcast %slice3A_101 : vector<512x1xf32> to vector<512x4096xf32>
    %eq3A_110 = vector.broadcast %transpose3A : vector<1x4096xf32> to vector<512x4096xf32>
    %eq3A_111 = arith.cmpf oeq, %eq3A_109, %eq3A_110 : vector<512x4096xf32>
    %lt3A_112 = arith.cmpi slt, %add3A_105, %iota3A : vector<512x4096xi32>
    %and3A_113 = arith.andi %eq3A_111, %lt3A_112 : vector<512x4096xi1>
    %or3A_114 = arith.ori %gt3A_108, %and3A_113 : vector<512x4096xi1>
    %convert_element_type3A_115 = arith.extui %or3A_114 : vector<512x4096xi1> to vector<512x4096xi32>
    %convert_element_type3A_116 = arith.sitofp %convert_element_type3A_115 : vector<512x4096xi32> to vector<512x4096xf32>
    %reduce_sum3A_117 = arith.constant dense<0.000000e+00> : vector<4096xf32>
    %reduce_sum3A_118 = vector.multi_reduction <add>, %convert_element_type3A_116, %reduce_sum3A_117 [0] : vector<512x4096xf32> to vector<4096xf32>
    %broadcast_in_dim3A_119 = vector.shape_cast %reduce_sum3A_118 : vector<4096xf32> to vector<1x4096xf32>
    %add3A_120 = arith.addf %add3A_100, %broadcast_in_dim3A_119 : vector<1x4096xf32>
    %slice3A_121 = vector.extract_strided_slice %dot_general3A_12 {offsets = [2560, 0], sizes = [512, 1], strides = [1, 1]} : vector<4096x1xf32> to vector<512x1xf32>
    %iota3A_122 = tpu.iota {dimensions = array<i32: 0>} : vector<512x4096xi32>
    %add3A_123 = arith.constant 2560 : i32
    %add3A_124 = vector.broadcast %add3A_123 : i32 to vector<512x4096xi32>
    %add3A_125 = arith.addi %iota3A_122, %add3A_124 : vector<512x4096xi32>
    %gt3A_126 = vector.broadcast %slice3A_121 : vector<512x1xf32> to vector<512x4096xf32>
    %gt3A_127 = vector.broadcast %transpose3A : vector<1x4096xf32> to vector<512x4096xf32>
    %gt3A_128 = arith.cmpf ogt, %gt3A_126, %gt3A_127 : vector<512x4096xf32>
    %eq3A_129 = vector.broadcast %slice3A_121 : vector<512x1xf32> to vector<512x4096xf32>
    %eq3A_130 = vector.broadcast %transpose3A : vector<1x4096xf32> to vector<512x4096xf32>
    %eq3A_131 = arith.cmpf oeq, %eq3A_129, %eq3A_130 : vector<512x4096xf32>
    %lt3A_132 = arith.cmpi slt, %add3A_125, %iota3A : vector<512x4096xi32>
    %and3A_133 = arith.andi %eq3A_131, %lt3A_132 : vector<512x4096xi1>
    %or3A_134 = arith.ori %gt3A_128, %and3A_133 : vector<512x4096xi1>
    %convert_element_type3A_135 = arith.extui %or3A_134 : vector<512x4096xi1> to vector<512x4096xi32>
    %convert_element_type3A_136 = arith.sitofp %convert_element_type3A_135 : vector<512x4096xi32> to vector<512x4096xf32>
    %reduce_sum3A_137 = arith.constant dense<0.000000e+00> : vector<4096xf32>
    %reduce_sum3A_138 = vector.multi_reduction <add>, %convert_element_type3A_136, %reduce_sum3A_137 [0] : vector<512x4096xf32> to vector<4096xf32>
    %broadcast_in_dim3A_139 = vector.shape_cast %reduce_sum3A_138 : vector<4096xf32> to vector<1x4096xf32>
    %add3A_140 = arith.addf %add3A_120, %broadcast_in_dim3A_139 : vector<1x4096xf32>
    %slice3A_141 = vector.extract_strided_slice %dot_general3A_12 {offsets = [3072, 0], sizes = [512, 1], strides = [1, 1]} : vector<4096x1xf32> to vector<512x1xf32>
    %iota3A_142 = tpu.iota {dimensions = array<i32: 0>} : vector<512x4096xi32>
    %add3A_143 = arith.constant 3072 : i32
    %add3A_144 = vector.broadcast %add3A_143 : i32 to vector<512x4096xi32>
    %add3A_145 = arith.addi %iota3A_142, %add3A_144 : vector<512x4096xi32>
    %gt3A_146 = vector.broadcast %slice3A_141 : vector<512x1xf32> to vector<512x4096xf32>
    %gt3A_147 = vector.broadcast %transpose3A : vector<1x4096xf32> to vector<512x4096xf32>
    %gt3A_148 = arith.cmpf ogt, %gt3A_146, %gt3A_147 : vector<512x4096xf32>
    %eq3A_149 = vector.broadcast %slice3A_141 : vector<512x1xf32> to vector<512x4096xf32>
    %eq3A_150 = vector.broadcast %transpose3A : vector<1x4096xf32> to vector<512x4096xf32>
    %eq3A_151 = arith.cmpf oeq, %eq3A_149, %eq3A_150 : vector<512x4096xf32>
    %lt3A_152 = arith.cmpi slt, %add3A_145, %iota3A : vector<512x4096xi32>
    %and3A_153 = arith.andi %eq3A_151, %lt3A_152 : vector<512x4096xi1>
    %or3A_154 = arith.ori %gt3A_148, %and3A_153 : vector<512x4096xi1>
    %convert_element_type3A_155 = arith.extui %or3A_154 : vector<512x4096xi1> to vector<512x4096xi32>
    %convert_element_type3A_156 = arith.sitofp %convert_element_type3A_155 : vector<512x4096xi32> to vector<512x4096xf32>
    %reduce_sum3A_157 = arith.constant dense<0.000000e+00> : vector<4096xf32>
    %reduce_sum3A_158 = vector.multi_reduction <add>, %convert_element_type3A_156, %reduce_sum3A_157 [0] : vector<512x4096xf32> to vector<4096xf32>
    %broadcast_in_dim3A_159 = vector.shape_cast %reduce_sum3A_158 : vector<4096xf32> to vector<1x4096xf32>
    %add3A_160 = arith.addf %add3A_140, %broadcast_in_dim3A_159 : vector<1x4096xf32>
    %slice3A_161 = vector.extract_strided_slice %dot_general3A_12 {offsets = [3584, 0], sizes = [512, 1], strides = [1, 1]} : vector<4096x1xf32> to vector<512x1xf32>
    %iota3A_162 = tpu.iota {dimensions = array<i32: 0>} : vector<512x4096xi32>
    %add3A_163 = arith.constant 3584 : i32
    %add3A_164 = vector.broadcast %add3A_163 : i32 to vector<512x4096xi32>
    %add3A_165 = arith.addi %iota3A_162, %add3A_164 : vector<512x4096xi32>
    %gt3A_166 = vector.broadcast %slice3A_161 : vector<512x1xf32> to vector<512x4096xf32>
    %gt3A_167 = vector.broadcast %transpose3A : vector<1x4096xf32> to vector<512x4096xf32>
    %gt3A_168 = arith.cmpf ogt, %gt3A_166, %gt3A_167 : vector<512x4096xf32>
    %eq3A_169 = vector.broadcast %slice3A_161 : vector<512x1xf32> to vector<512x4096xf32>
    %eq3A_170 = vector.broadcast %transpose3A : vector<1x4096xf32> to vector<512x4096xf32>
    %eq3A_171 = arith.cmpf oeq, %eq3A_169, %eq3A_170 : vector<512x4096xf32>
    %lt3A_172 = arith.cmpi slt, %add3A_165, %iota3A : vector<512x4096xi32>
    %and3A_173 = arith.andi %eq3A_171, %lt3A_172 : vector<512x4096xi1>
    %or3A_174 = arith.ori %gt3A_168, %and3A_173 : vector<512x4096xi1>
    %convert_element_type3A_175 = arith.extui %or3A_174 : vector<512x4096xi1> to vector<512x4096xi32>
    %convert_element_type3A_176 = arith.sitofp %convert_element_type3A_175 : vector<512x4096xi32> to vector<512x4096xf32>
    %reduce_sum3A_177 = arith.constant dense<0.000000e+00> : vector<4096xf32>
    %reduce_sum3A_178 = vector.multi_reduction <add>, %convert_element_type3A_176, %reduce_sum3A_177 [0] : vector<512x4096xf32> to vector<4096xf32>
    %broadcast_in_dim3A_179 = vector.shape_cast %reduce_sum3A_178 : vector<4096xf32> to vector<1x4096xf32>
    %add3A_180 = arith.addf %add3A_160, %broadcast_in_dim3A_179 : vector<1x4096xf32>
    %lt3A_181 = arith.constant 1.024000e+03 : f32
    %lt3A_182 = vector.broadcast %lt3A_181 : f32 to vector<1x4096xf32>
    %lt3A_183 = arith.cmpf olt, %add3A_180, %lt3A_182 : vector<1x4096xf32>
    %convert_element_type3A_184 = arith.extui %lt3A_183 : vector<1x4096xi1> to vector<1x4096xi32>
    %convert_element_type3A_185 = arith.sitofp %convert_element_type3A_184 : vector<1x4096xi32> to vector<1x4096xf32>
    %iota3A_186 = tpu.iota {dimensions = array<i32: 1>} : vector<1x4096xi32>
    %roll3A = arith.constant 1 : i32
    %roll3A_187 = tpu.dynamic_rotate %convert_element_type3A_185 by %roll3A dim 1 : vector<1x4096xf32>, i32 -> vector<1x4096xf32>
    %ge3A = arith.constant 1 : i32
    %ge3A_188 = vector.broadcast %ge3A : i32 to vector<1x4096xi32>
    %ge3A_189 = arith.cmpi sge, %iota3A_186, %ge3A_188 : vector<1x4096xi32>
    %jit3A = arith.constant 0.000000e+00 : f32
    %broadcast_in_dim3A_190 = vector.broadcast %jit3A : f32 to vector<1x4096xf32>
    %select_n3A = arith.select %ge3A_189, %roll3A_187, %broadcast_in_dim3A_190 : vector<1x4096xi1>, vector<1x4096xf32>
    %add3A_191 = arith.addf %convert_element_type3A_185, %select_n3A : vector<1x4096xf32>
    %roll3A_192 = arith.constant 2 : i32
    %roll3A_193 = tpu.dynamic_rotate %add3A_191 by %roll3A_192 dim 1 : vector<1x4096xf32>, i32 -> vector<1x4096xf32>
    %ge3A_194 = arith.constant 2 : i32
    %ge3A_195 = vector.broadcast %ge3A_194 : i32 to vector<1x4096xi32>
    %ge3A_196 = arith.cmpi sge, %iota3A_186, %ge3A_195 : vector<1x4096xi32>
    %jit3A_197 = arith.constant 0.000000e+00 : f32
    %broadcast_in_dim3A_198 = vector.broadcast %jit3A_197 : f32 to vector<1x4096xf32>
    %select_n3A_199 = arith.select %ge3A_196, %roll3A_193, %broadcast_in_dim3A_198 : vector<1x4096xi1>, vector<1x4096xf32>
    %add3A_200 = arith.addf %add3A_191, %select_n3A_199 : vector<1x4096xf32>
    %roll3A_201 = arith.constant 4 : i32
    %roll3A_202 = tpu.dynamic_rotate %add3A_200 by %roll3A_201 dim 1 : vector<1x4096xf32>, i32 -> vector<1x4096xf32>
    %ge3A_203 = arith.constant 4 : i32
    %ge3A_204 = vector.broadcast %ge3A_203 : i32 to vector<1x4096xi32>
    %ge3A_205 = arith.cmpi sge, %iota3A_186, %ge3A_204 : vector<1x4096xi32>
    %jit3A_206 = arith.constant 0.000000e+00 : f32
    %broadcast_in_dim3A_207 = vector.broadcast %jit3A_206 : f32 to vector<1x4096xf32>
    %select_n3A_208 = arith.select %ge3A_205, %roll3A_202, %broadcast_in_dim3A_207 : vector<1x4096xi1>, vector<1x4096xf32>
    %add3A_209 = arith.addf %add3A_200, %select_n3A_208 : vector<1x4096xf32>
    %roll3A_210 = arith.constant 8 : i32
    %roll3A_211 = tpu.dynamic_rotate %add3A_209 by %roll3A_210 dim 1 : vector<1x4096xf32>, i32 -> vector<1x4096xf32>
    %ge3A_212 = arith.constant 8 : i32
    %ge3A_213 = vector.broadcast %ge3A_212 : i32 to vector<1x4096xi32>
    %ge3A_214 = arith.cmpi sge, %iota3A_186, %ge3A_213 : vector<1x4096xi32>
    %jit3A_215 = arith.constant 0.000000e+00 : f32
    %broadcast_in_dim3A_216 = vector.broadcast %jit3A_215 : f32 to vector<1x4096xf32>
    %select_n3A_217 = arith.select %ge3A_214, %roll3A_211, %broadcast_in_dim3A_216 : vector<1x4096xi1>, vector<1x4096xf32>
    %add3A_218 = arith.addf %add3A_209, %select_n3A_217 : vector<1x4096xf32>
    %roll3A_219 = arith.constant 16 : i32
    %roll3A_220 = tpu.dynamic_rotate %add3A_218 by %roll3A_219 dim 1 : vector<1x4096xf32>, i32 -> vector<1x4096xf32>
    %ge3A_221 = arith.constant 16 : i32
    %ge3A_222 = vector.broadcast %ge3A_221 : i32 to vector<1x4096xi32>
    %ge3A_223 = arith.cmpi sge, %iota3A_186, %ge3A_222 : vector<1x4096xi32>
    %jit3A_224 = arith.constant 0.000000e+00 : f32
    %broadcast_in_dim3A_225 = vector.broadcast %jit3A_224 : f32 to vector<1x4096xf32>
    %select_n3A_226 = arith.select %ge3A_223, %roll3A_220, %broadcast_in_dim3A_225 : vector<1x4096xi1>, vector<1x4096xf32>
    %add3A_227 = arith.addf %add3A_218, %select_n3A_226 : vector<1x4096xf32>
    %roll3A_228 = arith.constant 32 : i32
    %roll3A_229 = tpu.dynamic_rotate %add3A_227 by %roll3A_228 dim 1 : vector<1x4096xf32>, i32 -> vector<1x4096xf32>
    %ge3A_230 = arith.constant 32 : i32
    %ge3A_231 = vector.broadcast %ge3A_230 : i32 to vector<1x4096xi32>
    %ge3A_232 = arith.cmpi sge, %iota3A_186, %ge3A_231 : vector<1x4096xi32>
    %jit3A_233 = arith.constant 0.000000e+00 : f32
    %broadcast_in_dim3A_234 = vector.broadcast %jit3A_233 : f32 to vector<1x4096xf32>
    %select_n3A_235 = arith.select %ge3A_232, %roll3A_229, %broadcast_in_dim3A_234 : vector<1x4096xi1>, vector<1x4096xf32>
    %add3A_236 = arith.addf %add3A_227, %select_n3A_235 : vector<1x4096xf32>
    %roll3A_237 = arith.constant 64 : i32
    %roll3A_238 = tpu.dynamic_rotate %add3A_236 by %roll3A_237 dim 1 : vector<1x4096xf32>, i32 -> vector<1x4096xf32>
    %ge3A_239 = arith.constant 64 : i32
    %ge3A_240 = vector.broadcast %ge3A_239 : i32 to vector<1x4096xi32>
    %ge3A_241 = arith.cmpi sge, %iota3A_186, %ge3A_240 : vector<1x4096xi32>
    %jit3A_242 = arith.constant 0.000000e+00 : f32
    %broadcast_in_dim3A_243 = vector.broadcast %jit3A_242 : f32 to vector<1x4096xf32>
    %select_n3A_244 = arith.select %ge3A_241, %roll3A_238, %broadcast_in_dim3A_243 : vector<1x4096xi1>, vector<1x4096xf32>
    %add3A_245 = arith.addf %add3A_236, %select_n3A_244 : vector<1x4096xf32>
    %roll3A_246 = arith.constant 128 : i32
    %roll3A_247 = tpu.dynamic_rotate %add3A_245 by %roll3A_246 dim 1 : vector<1x4096xf32>, i32 -> vector<1x4096xf32>
    %ge3A_248 = arith.constant 128 : i32
    %ge3A_249 = vector.broadcast %ge3A_248 : i32 to vector<1x4096xi32>
    %ge3A_250 = arith.cmpi sge, %iota3A_186, %ge3A_249 : vector<1x4096xi32>
    %jit3A_251 = arith.constant 0.000000e+00 : f32
    %broadcast_in_dim3A_252 = vector.broadcast %jit3A_251 : f32 to vector<1x4096xf32>
    %select_n3A_253 = arith.select %ge3A_250, %roll3A_247, %broadcast_in_dim3A_252 : vector<1x4096xi1>, vector<1x4096xf32>
    %add3A_254 = arith.addf %add3A_245, %select_n3A_253 : vector<1x4096xf32>
    %roll3A_255 = arith.constant 256 : i32
    %roll3A_256 = tpu.dynamic_rotate %add3A_254 by %roll3A_255 dim 1 : vector<1x4096xf32>, i32 -> vector<1x4096xf32>
    %ge3A_257 = arith.constant 256 : i32
    %ge3A_258 = vector.broadcast %ge3A_257 : i32 to vector<1x4096xi32>
    %ge3A_259 = arith.cmpi sge, %iota3A_186, %ge3A_258 : vector<1x4096xi32>
    %jit3A_260 = arith.constant 0.000000e+00 : f32
    %broadcast_in_dim3A_261 = vector.broadcast %jit3A_260 : f32 to vector<1x4096xf32>
    %select_n3A_262 = arith.select %ge3A_259, %roll3A_256, %broadcast_in_dim3A_261 : vector<1x4096xi1>, vector<1x4096xf32>
    %add3A_263 = arith.addf %add3A_254, %select_n3A_262 : vector<1x4096xf32>
    %roll3A_264 = arith.constant 512 : i32
    %roll3A_265 = tpu.dynamic_rotate %add3A_263 by %roll3A_264 dim 1 : vector<1x4096xf32>, i32 -> vector<1x4096xf32>
    %ge3A_266 = arith.constant 512 : i32
    %ge3A_267 = vector.broadcast %ge3A_266 : i32 to vector<1x4096xi32>
    %ge3A_268 = arith.cmpi sge, %iota3A_186, %ge3A_267 : vector<1x4096xi32>
    %jit3A_269 = arith.constant 0.000000e+00 : f32
    %broadcast_in_dim3A_270 = vector.broadcast %jit3A_269 : f32 to vector<1x4096xf32>
    %select_n3A_271 = arith.select %ge3A_268, %roll3A_265, %broadcast_in_dim3A_270 : vector<1x4096xi1>, vector<1x4096xf32>
    %add3A_272 = arith.addf %add3A_263, %select_n3A_271 : vector<1x4096xf32>
    %roll3A_273 = arith.constant 1024 : i32
    %roll3A_274 = tpu.dynamic_rotate %add3A_272 by %roll3A_273 dim 1 : vector<1x4096xf32>, i32 -> vector<1x4096xf32>
    %ge3A_275 = arith.constant 1024 : i32
    %ge3A_276 = vector.broadcast %ge3A_275 : i32 to vector<1x4096xi32>
    %ge3A_277 = arith.cmpi sge, %iota3A_186, %ge3A_276 : vector<1x4096xi32>
    %jit3A_278 = arith.constant 0.000000e+00 : f32
    %broadcast_in_dim3A_279 = vector.broadcast %jit3A_278 : f32 to vector<1x4096xf32>
    %select_n3A_280 = arith.select %ge3A_277, %roll3A_274, %broadcast_in_dim3A_279 : vector<1x4096xi1>, vector<1x4096xf32>
    %add3A_281 = arith.addf %add3A_272, %select_n3A_280 : vector<1x4096xf32>
    %roll3A_282 = arith.constant 2048 : i32
    %roll3A_283 = tpu.dynamic_rotate %add3A_281 by %roll3A_282 dim 1 : vector<1x4096xf32>, i32 -> vector<1x4096xf32>
    %ge3A_284 = arith.constant 2048 : i32
    %ge3A_285 = vector.broadcast %ge3A_284 : i32 to vector<1x4096xi32>
    %ge3A_286 = arith.cmpi sge, %iota3A_186, %ge3A_285 : vector<1x4096xi32>
    %jit3A_287 = arith.constant 0.000000e+00 : f32
    %broadcast_in_dim3A_288 = vector.broadcast %jit3A_287 : f32 to vector<1x4096xf32>
    %select_n3A_289 = arith.select %ge3A_286, %roll3A_283, %broadcast_in_dim3A_288 : vector<1x4096xi1>, vector<1x4096xf32>
    %add3A_290 = arith.addf %add3A_281, %select_n3A_289 : vector<1x4096xf32>
    %iota3A_291 = tpu.iota {dimensions = array<i32: 0>} : vector<512x4096xi32>
    %add3A_292 = arith.constant 0 : i32
    %add3A_293 = vector.broadcast %add3A_292 : i32 to vector<512x4096xi32>
    %add3A_294 = arith.addi %iota3A_291, %add3A_293 : vector<512x4096xi32>
    %convert_element_type3A_295 = arith.sitofp %add3A_294 : vector<512x4096xi32> to vector<512x4096xf32>
    %le3A = vector.broadcast %add3A_290 : vector<1x4096xf32> to vector<512x4096xf32>
    %le3A_296 = arith.cmpf ole, %le3A, %convert_element_type3A_295 : vector<512x4096xf32>
    %convert_element_type3A_297 = arith.extui %le3A_296 : vector<512x4096xi1> to vector<512x4096xi32>
    %convert_element_type3A_298 = arith.sitofp %convert_element_type3A_297 : vector<512x4096xi32> to vector<512x4096xf32>
    %reduce_sum3A_299 = arith.constant dense<0.000000e+00> : vector<512xf32>
    %reduce_sum3A_300 = vector.multi_reduction <add>, %convert_element_type3A_298, %reduce_sum3A_299 [1] : vector<512x4096xf32> to vector<512xf32>
    %broadcast_in_dim3A_301 = vector.shape_cast %reduce_sum3A_300 : vector<512xf32> to vector<512x1xf32>
    %convert_element_type3A_302 = arith.fptosi %broadcast_in_dim3A_301 : vector<512x1xf32> to vector<512x1xi32>
    %swap3A_303 = arith.constant 0 : index
    %swap3A_304 = arith.constant 0 : index
    %swap3A_305 = vector.load %arg4[%swap3A_303, %swap3A_304] : memref<1024x1xi32, #tpu.memory_space<vmem>>, vector<512x1xi32>
    tpu.vector_store %arg4[%swap3A_303, %swap3A_304], %convert_element_type3A_302 {strides = array<i32>} : memref<1024x1xi32, #tpu.memory_space<vmem>>, vector<512x1xi32>,
    %iota3A_306 = tpu.iota {dimensions = array<i32: 0>} : vector<512x4096xi32>
    %add3A_307 = arith.constant 512 : i32
    %add3A_308 = vector.broadcast %add3A_307 : i32 to vector<512x4096xi32>
    %add3A_309 = arith.addi %iota3A_306, %add3A_308 : vector<512x4096xi32>
    %convert_element_type3A_310 = arith.sitofp %add3A_309 : vector<512x4096xi32> to vector<512x4096xf32>
    %le3A_311 = vector.broadcast %add3A_290 : vector<1x4096xf32> to vector<512x4096xf32>
    %le3A_312 = arith.cmpf ole, %le3A_311, %convert_element_type3A_310 : vector<512x4096xf32>
    %convert_element_type3A_313 = arith.extui %le3A_312 : vector<512x4096xi1> to vector<512x4096xi32>
    %convert_element_type3A_314 = arith.sitofp %convert_element_type3A_313 : vector<512x4096xi32> to vector<512x4096xf32>
    %reduce_sum3A_315 = arith.constant dense<0.000000e+00> : vector<512xf32>
    %reduce_sum3A_316 = vector.multi_reduction <add>, %convert_element_type3A_314, %reduce_sum3A_315 [1] : vector<512x4096xf32> to vector<512xf32>
    %broadcast_in_dim3A_317 = vector.shape_cast %reduce_sum3A_316 : vector<512xf32> to vector<512x1xf32>
    %convert_element_type3A_318 = arith.fptosi %broadcast_in_dim3A_317 : vector<512x1xf32> to vector<512x1xi32>
    %swap3A_319 = arith.constant 512 : index
    %swap3A_320 = arith.constant 0 : index
    %swap3A_321 = vector.load %arg4[%swap3A_319, %swap3A_320] : memref<1024x1xi32, #tpu.memory_space<vmem>>, vector<512x1xi32>
    tpu.vector_store %arg4[%swap3A_319, %swap3A_320], %convert_element_type3A_318 {strides = array<i32>} : memref<1024x1xi32, #tpu.memory_space<vmem>>, vector<512x1xi32>,
    return
  }
}

module attributes {stable_mosaic.version = 14 : i64} {
  func.func @_tr_body(%arg0: i32, %arg1: i32, %arg2: memref<512x2048xf32, #tpu.memory_space<vmem>>, %arg3: memref<512x2048xf32, #tpu.memory_space<vmem>>, %arg4: memref<2048x512xi32, #tpu.memory_space<vmem>>) attributes {dimension_semantics = [#tpu.dimension_semantics<arbitrary>, #tpu.dimension_semantics<arbitrary>], iteration_bounds = array<i64: 4, 2>, scalar_prefetch = 0 : i64, scratch_operands = 0 : i64, tpu.core_type = #tpu.core_type<tc>, window_params = [{transform_indices = @transform_0, window_bounds = array<i64: 512, 2048>}, {transform_indices = @transform_1, window_bounds = array<i64: 512, 2048>}, {transform_indices = @transform_2, window_bounds = array<i64: 2048, 512>}]} {
    %get3A = arith.constant 0 : index
    %get3A_0 = arith.constant 0 : index
    %get3A_1 = vector.load %arg2[%get3A, %get3A_0] : memref<512x2048xf32, #tpu.memory_space<vmem>>, vector<512x2048xf32>
    %transpose3A = tpu.transpose %get3A_1, [1, 0] : vector<512x2048xf32> -> vector<2048x512xf32>
    %convert_element_type3A = arith.truncf %transpose3A : vector<2048x512xf32> to vector<2048x512xbf16>
    %get3A_2 = arith.constant 0 : index
    %get3A_3 = arith.constant 0 : index
    %get3A_4 = vector.load %arg3[%get3A_2, %get3A_3] : memref<512x2048xf32, #tpu.memory_space<vmem>>, vector<512x2048xf32>
    %transpose3A_5 = tpu.transpose %get3A_4, [1, 0] : vector<512x2048xf32> -> vector<2048x512xf32>
    %convert_element_type3A_6 = arith.truncf %transpose3A_5 : vector<2048x512xf32> to vector<2048x512xbf16>
    %bitcast_convert_type3A = tpu.bitcast %convert_element_type3A : vector<2048x512xbf16> -> vector<2048x512xi16>
    %convert_element_type3A_7 = arith.extui %bitcast_convert_type3A : vector<2048x512xi16> to vector<2048x512xi32>
    %bitcast_convert_type3A_8 = tpu.bitcast %convert_element_type3A_6 : vector<2048x512xbf16> -> vector<2048x512xi16>
    %convert_element_type3A_9 = arith.extui %bitcast_convert_type3A_8 : vector<2048x512xi16> to vector<2048x512xi32>
    %shift_left3A = arith.constant 16 : i32
    %shift_left3A_10 = vector.broadcast %shift_left3A : i32 to vector<2048x512xi32>
    %shift_left3A_11 = arith.shli %convert_element_type3A_9, %shift_left3A_10 : vector<2048x512xi32>
    %or3A = arith.ori %shift_left3A_11, %convert_element_type3A_7 : vector<2048x512xi32>
    %swap3A = arith.constant 0 : index
    %swap3A_12 = arith.constant 0 : index
    %swap3A_13 = vector.load %arg4[%swap3A, %swap3A_12] : memref<2048x512xi32, #tpu.memory_space<vmem>>, vector<2048x512xi32>
    tpu.vector_store %arg4[%swap3A, %swap3A_12], %or3A {strides = array<i32>} : memref<2048x512xi32, #tpu.memory_space<vmem>>, vector<2048x512xi32>,
    return
  }
  func.func @transform_0(%arg0: i32, %arg1: i32) -> (i32, i32) {
    %c0_i32 = arith.constant 0 : i32
    return %arg0, %arg1 : i32, i32
  }
  func.func @transform_1(%arg0: i32, %arg1: i32) -> (i32, i32) {
    %add3A = arith.constant 4 : i32
    %add3A_0 = arith.addi %arg0, %add3A : i32
    %c0_i32 = arith.constant 0 : i32
    return %add3A_0, %arg1 : i32, i32
  }
  func.func @transform_2(%arg0: i32, %arg1: i32) -> (i32, i32) {
    %c0_i32 = arith.constant 0 : i32
    return %arg1, %arg0 : i32, i32
  }
}

module attributes {stable_mosaic.version = 14 : i64} {
  func.func @_mm_body(%arg0: i32, %arg1: memref<256x4096xf32, #tpu.memory_space<vmem>>, %arg2: memref<1024x2048xi32, #tpu.memory_space<vmem>>, %arg3: memref<256x1024xf32, #tpu.memory_space<vmem>>) attributes {dimension_semantics = [#tpu.dimension_semantics<arbitrary>], iteration_bounds = array<i64: 4>, scalar_prefetch = 0 : i64, scratch_operands = 0 : i64, tpu.core_type = #tpu.core_type<tc>, window_params = [{transform_indices = @transform_0, window_bounds = array<i64: 256, 4096>}, {pipeline_mode = #tpu.pipeline_mode<synchronous>, transform_indices = @transform_1, window_bounds = array<i64: 1024, 2048>}, {transform_indices = @transform_2, window_bounds = array<i64: 256, 1024>}]} {
    %get3A = arith.constant 0 : index
    %get3A_0 = arith.constant 0 : index
    %get3A_1 = vector.load %arg2[%get3A, %get3A_0] : memref<1024x2048xi32, #tpu.memory_space<vmem>>, vector<1024x2048xi32>
    %bitcast_convert_type3A = tpu.bitcast %get3A_1 : vector<1024x2048xi32> -> vector<1024x2048xi32>
    %and3A = arith.constant 65535 : i32
    %and3A_2 = vector.broadcast %and3A : i32 to vector<1024x2048xi32>
    %and3A_3 = arith.andi %bitcast_convert_type3A, %and3A_2 : vector<1024x2048xi32>
    %convert_element_type3A = arith.trunci %and3A_3 : vector<1024x2048xi32> to vector<1024x2048xi16>
    %bitcast_convert_type3A_4 = tpu.bitcast %convert_element_type3A : vector<1024x2048xi16> -> vector<1024x2048xbf16>
    %shift_right_logical3A = arith.constant 16 : i32
    %shift_right_logical3A_5 = vector.broadcast %shift_right_logical3A : i32 to vector<1024x2048xi32>
    %shift_right_logical3A_6 = arith.shrui %bitcast_convert_type3A, %shift_right_logical3A_5 : vector<1024x2048xi32>
    %convert_element_type3A_7 = arith.trunci %shift_right_logical3A_6 : vector<1024x2048xi32> to vector<1024x2048xi16>
    %bitcast_convert_type3A_8 = tpu.bitcast %convert_element_type3A_7 : vector<1024x2048xi16> -> vector<1024x2048xbf16>
    %get3A_9 = arith.constant 0 : index
    %get3A_10 = arith.constant 0 : index
    %get3A_11 = vector.load %arg1[%get3A_9, %get3A_10] : memref<256x4096xf32, #tpu.memory_space<vmem>>, vector<256x4096xf32>
    %slice3A = vector.extract_strided_slice %get3A_11 {offsets = [0, 0], sizes = [256, 2048], strides = [1, 1]} : vector<256x4096xf32> to vector<256x2048xf32>
    %convert_element_type3A_12 = arith.truncf %slice3A : vector<256x2048xf32> to vector<256x2048xbf16>
    %dot_general3A = arith.constant dense<0.000000e+00> : vector<256x1024xf32>
    %dot_general3A_13 = tpu.matmul %convert_element_type3A_12, %bitcast_convert_type3A_4, %dot_general3A {dimension_numbers = #tpu.dot_dimension_numbers<[1], [1], [0], [0], [0, 0, 1, 0], [], []>, transpose_lhs_hint = false} : vector<256x2048xbf16>, vector<1024x2048xbf16>, vector<256x1024xf32> -> vector<256x1024xf32>
    %slice3A_14 = vector.extract_strided_slice %get3A_11 {offsets = [0, 2048], sizes = [256, 2048], strides = [1, 1]} : vector<256x4096xf32> to vector<256x2048xf32>
    %convert_element_type3A_15 = arith.truncf %slice3A_14 : vector<256x2048xf32> to vector<256x2048xbf16>
    %dot_general3A_16 = arith.constant dense<0.000000e+00> : vector<256x1024xf32>
    %dot_general3A_17 = tpu.matmul %convert_element_type3A_15, %bitcast_convert_type3A_8, %dot_general3A_16 {dimension_numbers = #tpu.dot_dimension_numbers<[1], [1], [0], [0], [0, 0, 1, 0], [], []>, transpose_lhs_hint = false} : vector<256x2048xbf16>, vector<1024x2048xbf16>, vector<256x1024xf32> -> vector<256x1024xf32>
    %add3A = arith.addf %dot_general3A_13, %dot_general3A_17 : vector<256x1024xf32>
    %swap3A = arith.constant 0 : index
    %swap3A_18 = arith.constant 0 : index
    %swap3A_19 = vector.load %arg3[%swap3A, %swap3A_18] : memref<256x1024xf32, #tpu.memory_space<vmem>>, vector<256x1024xf32>
    tpu.vector_store %arg3[%swap3A, %swap3A_18], %add3A {strides = array<i32>} : memref<256x1024xf32, #tpu.memory_space<vmem>>, vector<256x1024xf32>,
    return
  }
  func.func @transform_0(%arg0: i32) -> (i32, i32) {
    %c0_i32 = arith.constant 0 : i32
    %c0_i32_0 = arith.constant 0 : i32
    return %arg0, %c0_i32 : i32, i32
  }
  func.func @transform_1(%arg0: i32) -> (i32, i32) {
    %c0_i32 = arith.constant 0 : i32
    %c0_i32_0 = arith.constant 0 : i32
    %c0_i32_1 = arith.constant 0 : i32
    return %c0_i32, %c0_i32_0 : i32, i32
  }
  func.func @transform_2(%arg0: i32) -> (i32, i32) {
    %c0_i32 = arith.constant 0 : i32
    %c0_i32_0 = arith.constant 0 : i32
    return %arg0, %c0_i32 : i32, i32
  }
}

</mosaic_0001>

<sc_bundles>
// kernel: kernel.11.cloned.1.call-start
scs
__scs_entry_jumppad:
0x0: {  	(pc) =	sbr.rel $0x88, $3  }
0x1: {  	(tag) =	ssettag $0x0;
	lr =	simm.s32 $0x1  }
0x2: {  	[smem:$0x3F9D] =	sst lr;
	_ =	strace $0xD0000000  }
0x3: {  	_ = 	snop  }
0x4: {  	_ = 	snop  }
0x5: {  	_ = 	snop  }
0x6: {  	_ = 	snop  }
0x7: {  	_ = 	snop  }
__scs_overlays_trampoline_lowered:
0x8: {  	[smem:$0x3FAC] =	sst s0  }
0x9: {  	[smem:$0x3FAD] =	sst s1  }
0xa: {  	[smem:$0x3FAE] =	sst s2  }
0xb: {  	[smem:$0x3FAF] =	sst s3  }
0xc: {  	[smem:$0x3FB0] =	sst s4  }
0xd: {  	[smem:$0x3FB1] =	sst s5  }
0xe: {  	[smem:$0x3FB2] =	sst s6  }
0xf: {  	[smem:$0x3FB3] =	sst s7  }
0x10: {  	[smem:$0x3FB4] =	sst s8  }
0x11: {  	[smem:$0x3FB5] =	sst s9;
	s0 =	simm.s32 @!p0 $0x0  }
0x12: {  	s1 =	sld [smem:$0x3F9B];
	s0 =	simm.s32 @p0 $0x1  }
0x13: {  	[smem:$0x3FB6] =	sst s0;
	s0 =	simm.s32 @!p1 $0x0  }
0x14: {  	s2 =	sld [smem:$0x3F9A];
	s0 =	simm.s32 @p1 $0x1  }
0x15: {  	[smem:$0x3FB7] =	sst s0;
	s0 =	simm.s32 @!p2 $0x0  }
0x16: {  	s3 =	sld [smem:$0x3FDB];
	s0 =	simm.s32 @p2 $0x1  }
0x17: {  	s4 =	simm.s32 $0x1BF5;
	[smem:$0x3FB9] =	sst s0  }
0x18: {  	s0 =	sld [smem:$0x3F9C];
	_ =	swait.ge [sflag:s4], $0x0  }
0x19: {  	s7 =	sld [smem:$0x3F9D]  }
0x1a: {  	s8 =	sadd.s32 $0xFFFFE003, lr  }
0x1b: {  	s9 =	sadd.s32 $0xFFFFFEF7, lr;
	s5 =	simm.s32 $0xFFFFFFFF;
	p2 =	slt.u32 s8, $0xFFFFF086  }
0x1c: {  	p1 =	slt.u32 s9, $0xF7A;
	s5 =	simm.s32 @!p2 $0x0  }
0x1d: {  	s5 =	simm.s32 @p1 $0x1;
	p0 =	seq.s32 s7, s2  }
0x1e: {  	s7 =	smul.u32 @!p0 $0xF7A, s2;
	p2 =	seq.s32 @!p0 s5, $0x0  }
0x1f: {  	s9 =	smul.u32 $0xF7A, s1;
	s8 =	simm.s32 @!p0 $0x1BF5;
	p2 =	por !p2, p0  }
0x20: {  	[sflag:s8] =	ssyncset.s32 @!p0 $0xFFFFF086;
	s6 =	sadd.s32 @!p0 s3, s7;
	s7 =	simm.s32 @!p0 $0x108  }
0x21: {  	s3 =	sadd.s32 s3, s9;
	s6 =	sadd.s32 @!p0 $0x88, s6;
	s7 =	simm.s32 @p2 $0x1082  }
0x22: {  	[simem:s7], [sflag:s8] =	dma.local @!p0 [hbm:s6], $0xF7A  }
0x23: {  	s9 =	sor.u32 $0xD0000000, s2;
	s6 =	simm.s32 $0x108;
	_ =	swait.ge @!p0 [sflag:s8], $0x0  }
0x24: {  	s3 =	sadd.s32 $0x88, s3;
	s6 =	simm.s32 @!p1 $0x1082;
	[sflag:s4] =	ssyncset.s32 $0xFFFFF086  }
0x25: {  	[simem:s6], [sflag:s4] =	dma.local [hbm:s3], $0xF7A  }
0x26: {  	[smem:$0x3F9D] =	sst s1;
	(tag) =	ssettag s2;
	_ =	strace s9  }
0x27: {  	s1 =	sld [smem:$0x3FAD]  }
0x28: {  	s2 =	sld [smem:$0x3FAE]  }
0x29: {  	s4 =	sld [smem:$0x3FB0]  }
0x2a: {  	p0 =	seq.s32 s5, $0x0;
	s5 =	sld [smem:$0x3FB1]  }
0x2b: {  	s6 =	sld [smem:$0x3FB2]  }
0x2c: {  	s7 =	sld [smem:$0x3FB3]  }
0x2d: {  	s3 =	simm.s32 $0x108;
	s8 =	sld [smem:$0x3FB4]  }
0x2e: {  	s3 =	simm.s32 @!p0 $0x1082;
	s9 =	sld [smem:$0x3FB5]  }
0x2f: {  	lr =	sadd.s32 s0, s3;
	s0 =	sld [smem:$0x3FAC]  }
0x30: {  	s3 =	sld [smem:$0x3FAF]  }
0x31: {  	[smem:$0x3FB8] =	sst s10  }
0x32: {  	s10 =	sld [smem:$0x3FB6];
	_ =	sdelay $0x3  }
0x33: {  	p0 =	seq.s32 s10, $0x1;
	s10 =	sld [smem:$0x3FB8];
	_ =	sdelay $0x3  }
0x34: {  	[smem:$0x3FB8] =	sst s10  }
0x35: {  	s10 =	sld [smem:$0x3FB7];
	_ =	sdelay $0x3  }
0x36: {  	p1 =	seq.s32 s10, $0x1;
	s10 =	sld [smem:$0x3FB8];
	_ =	sdelay $0x3  }
0x37: {  	[smem:$0x3FB8] =	sst s10  }
0x38: {  	s10 =	sld [smem:$0x3FB9]  }
0x39: {  	_ = 	snop;
	(pc) =	sbr.ind lr, $3  }
0x3a: {  	_ = 	snop  }
0x3b: {  	_ = 	snop  }
0x3c: {  	p2 =	seq.s32 s10, $0x1;
	s10 =	sld [smem:$0x3FB8]  }
0x3d: {  	_ =	shalt  }
0x3e: {  	_ =	shalt  }
0x3f: {  	_ =	shalt  }
0x40: {  	_ =	shalt  }
0x41: {  	_ =	shalt  }
0x42: {  	_ =	shalt  }
0x43: {  	_ =	shalt  }
0x44: {  	_ =	shalt  }
0x45: {  	_ =	shalt  }
0x46: {  	_ =	shalt  }
0x47: {  	_ =	shalt  }
0x48: {  	_ =	shalt  }
0x49: {  	_ =	shalt  }
0x4a: {  	_ =	shalt  }
0x4b: {  	_ =	shalt  }
0x4c: {  	_ =	shalt  }
0x4d: {  	_ =	shalt  }
0x4e: {  	_ =	shalt  }
0x4f: {  	_ =	shalt  }
0x50: {  	_ =	shalt  }
0x51: {  	_ =	shalt  }
0x52: {  	_ =	shalt  }
0x53: {  	_ =	shalt  }
0x54: {  	_ =	shalt  }
0x55: {  	_ =	shalt  }
0x56: {  	_ =	shalt  }
0x57: {  	_ =	shalt  }
0x58: {  	_ =	shalt  }
0x59: {  	_ =	shalt  }
0x5a: {  	_ =	shalt  }
0x5b: {  	_ =	shalt  }
0x5c: {  	_ =	shalt  }
0x5d: {  	_ =	shalt  }
0x5e: {  	_ =	shalt  }
0x5f: {  	_ =	shalt  }
0x60: {  	_ =	shalt  }
0x61: {  	_ =	shalt  }
0x62: {  	_ =	shalt  }
0x63: {  	_ =	shalt  }
0x64: {  	_ =	shalt  }
0x65: {  	_ =	shalt  }
0x66: {  	_ =	shalt  }
0x67: {  	_ =	shalt  }
0x68: {  	_ =	shalt  }
0x69: {  	_ =	shalt  }
0x6a: {  	_ =	shalt  }
0x6b: {  	_ =	shalt  }
0x6c: {  	_ =	shalt  }
0x6d: {  	_ =	shalt  }
0x6e: {  	_ =	shalt  }
0x6f: {  	_ =	shalt  }
0x70: {  	_ =	shalt  }
0x71: {  	_ =	shalt  }
0x72: {  	_ =	shalt  }
0x73: {  	_ =	shalt  }
0x74: {  	_ =	shalt  }
0x75: {  	_ =	shalt  }
0x76: {  	_ =	shalt  }
0x77: {  	_ =	shalt  }
0x78: {  	_ =	shalt  }
0x79: {  	_ =	shalt  }
0x7a: {  	_ =	shalt  }
0x7b: {  	_ =	shalt  }
0x7c: {  	_ =	shalt  }
0x7d: {  	_ =	shalt  }
0x7e: {  	_ =	shalt  }
0x7f: {  	_ =	shalt  }
0x80: {  	_ =	shalt  }
0x81: {  	_ =	shalt  }
0x82: {  	_ =	shalt  }
0x83: {  	_ =	shalt  }
0x84: {  	_ =	shalt  }
0x85: {  	_ =	shalt  }
0x86: {  	_ =	shalt  }
0x87: {  	_ =	shalt  }
.Lfunc_end0:
.L_simem_size_0:
called_computation.1_lowered:
.L_overlay_start_0:
0x88: {  	s2 =	sld [smem:$0x3FD9]  }
0x89: {  	s3 =	sld [smem:$0x3FFE];
	_ =	sdelay $0x1  }
0x8a: {  	s1 =	srdreg.scid  }
0x8b: {  	s0 =	sand.u32 $0x1, s1  }
0x8c: {  	s17 =	sshll.u32 s0, $0xA;
	s2 =	sadd.s32 s3, s2  }
0x8d: {  	s2 =	sadd.s32 s2, s17  }
0x8e: {  	[smem:$0x3FC4] =	sst s2  }
0x8f: {  	_ = 	snop  }
0x90: {  	(tm) =	ssettm $0x1  }
0x91: {  	s18 =	sld [smem:$0x3FFB];
	_ =	sdelay $0x3  }
0x92: {  	_ =	strace s18  }
0x93: {  	s2 =	sld [smem:$0x3FFC];
	_ =	sdelay $0x3  }
0x94: {  	_ =	strace s2  }
0x95: {  	s2 =	sld [smem:$0x3FFD];
	_ =	sdelay $0x3  }
0x96: {  	_ =	strace s2  }
0x97: {  	_ =	strace $0x8FFFFFFF  }
0x98: {  	s19 =	sld [smem:$0x3FDB];
	_ =	sdelay $0x1  }
0x99: {  	s20 =	simm.s32 $_scs_section_size  }
0x9a: {  	s4 =	simm.s32 $_size__tile_overlayer_lowered;
	s5 =	simm.s32 $_tile_overlayer_lowered  }
0x9b: {  	s6 =	simm.s32 $0x1BFF;
	s21 =	sshll.u32 s5, $0x1;
	s3 =	sadd.s32 s20, s19  }
0x9c: {  	s22 =	simm.s32 $0x0;
	s4 =	sshll.u32 s4, $0x1;
	s5 =	sadd.s32 s21, s3  }
0x9d: {  	[timem:s22], [sflag:s6] =	dma.local [hbm:s5], s4  }
0x9e: {  	_ =	swait.ge [sflag:s6], s4  }
0x9f: {  	s4 =	ssub.s32 $0x0, s4;
	[sflag:s6] =	ssyncset.done $0x0  }
0xa0: {  	[sflag:s6] =	ssyncadd.s32 s4;
	_ =	sdelay $0x1  }
0xa1: {  	s23 =	simm.s32 $0x1B8B  }
0xa2: {  	_ =	swait.ge [sflag:s23], $0x1  }
0xa3: {  	[sflag:s23] =	ssyncset.done $0x0  }
0xa4: {  	[sflag:s23] =	ssyncadd.s32 $0xFFFFFFFF  }
0xa5: {  	s4 =	sld [smem:$0x0]  }
0xa6: {  	s5 =	sand.u32 $0xFFFFFFFE, s1  }
0xa7: {  	p0 =	sne.s32 s1, s5  }
0xa8: {  	s5 =	sshll.u32 @p0 s5, $0xE  }
0xa9: {  	s5 =	sadd.s32 @p0 $0x11B8D, s5;
	s6 =	sshll.u32 @p0 s4, $0x11  }
0xaa: {  	s5 =	sor.u32 @p0 s6, s5  }
0xab: {  	[sflag:s5] =	ssyncadd.remote.s32 @p0 $0x1;
	_ =	sdelay $0x1  }
0xac: {  	s5 =	simm.s32 @p0 $0x1B8D  }
0xad: {  	_ =	swait.eq @p0 [sflag:s5], $0x1  }
0xae: {  	[sflag:s5] =	ssyncadd.s32 @p0 $0xFFFFFFFF  }
0xaf: {  	s6 =	sshll.u32 @!p0 s1, $0xE  }
0xb0: {  	s6 =	sor.u32 @!p0 $0x4000, s6;
	s5 =	simm.s32 @!p0 $0x1B8D  }
0xb1: {  	s4 =	sshll.u32 @!p0 s4, $0x11;
	s6 =	sadd.s32 @!p0 $0x11B8D, s6;
	_ =	swait.eq @!p0 [sflag:s5], $0x1  }
0xb2: {  	s4 =	sor.u32 @!p0 s4, s6;
	[sflag:s5] =	ssyncadd.s32 @!p0 $0xFFFFFFFF  }
0xb3: {  	s25 =	simm.s32 $0x1B8E;
	s24 =	sld [smem:$0x3FFE];
	[sflag:s4] =	ssyncadd.remote.s32 @!p0 $0x1  }
0xb4: {  	s26 =	simm.s32 $execute0_lowered;
	[smem:$0x3FD2] =	sst s25  }
0xb5: {  	s5 =	sshll.u32 s26, $0x1;
	_ =	strace $0x80000049;
	[dreg:$0x1] =	wrdreg $0xFFFFFFFF  }
0xb6: {  	s28 =	simm.s32 $_size_execute0_lowered;
	s3 =	sadd.s32 s3, s5;
	[dreg:$0x0] =	wrdreg $0x0  }
0xb7: {  	s5 =	sshll.u32 s28, $0x1;
	[dreg:$0x2] =	wrdreg s3  }
0xb8: {  	[dreg:$0x3] =	wrdreg s5  }
0xb9: {  	[dreg:$0x4] =	wrdreg $0xC0  }
0xba: {  	_ =	task [dreg:s22], $0x5FFFF  }
0xbb: {  	[dreg:$0x1] =	wrdreg $0xFFFFFFFF  }
0xbc: {  	[dreg:$0x0] =	wrdreg $0x60  }
0xbd: {  	[dreg:$0x2] =	wrdreg s24  }
0xbe: {  	[dreg:$0x3] =	wrdreg $0xA  }
0xbf: {  	_ =	task.clear_ibuf [dreg:s22], $0x4FFFF;
	_ =	strace $0x90000049  }
0xc0: {  	s29 =	simm.s32 $0xA;
	_ =	strace $0x8000004B  }
0xc1: {  	_ =	swait.ge [sflag:s29], $0x1  }
0xc2: {  	[sflag:s29] =	ssyncadd.s32 $0xFFFFFFFF  }
0xc3: {  	_ =	strace $0x9000004B  }
0xc4: {  	_ =	sfence  }
0xc5: {  	s30 =	sld [smem:$0x0];
	_ =	sdelay $0x2  }
0xc6: {  	s31 =	sshll.u32 s1, $0xD;
	s1 =	sshrl.u32 s1, $0x2  }
0xc7: {  	s4 =	sand.u32 $0x4000, s31;
	s1 =	sadd.s32 s1, s30  }
0xc8: {  	s0 =	sor.u32 s4, s0;
	s1 =	sshll.u32 s1, $0x11  }
0xc9: {  	s0 =	sor.u32 s1, s0  }
0xca: {  	s0 =	sadd.s32 $0x8F2B, s0  }
0xcb: {  	[sflag:s0] =	ssyncadd.remote.s32 $0x1  }
0xcc: {  	_ =	sfence.sel $0xFFFF  }
0xcd: {  	[dreg:$0x0] =	wrdreg $0xFFFFFFFF;
	(pc) =	sbr.abs _section_cstart, $3  }
0xce: {  	[dreg:$0x1] =	wrdreg $0xFFFFFFFF  }
0xcf: {  	_ =	task.clear_ibuf [dreg:s22], $0x2FFFF;
	_ =	strace $0x9FFFFFFF  }
0xd0: {  	(tm) =	ssettm $0x7FFFFFFF  }
0xd1: {  	_ =	shalt  }
tec
execute0_lowered:
.L_overlay_start_1:
0x0: {  	(tag) =	ssettag $0x1  }
0x1: {  	s1 =	srdreg.scid;
	s0 =	stileid.u32  }
0x2: {  	s10 =	rddreg [dreg:$0x0];
	s18 =	simm.s32 $0x900;
	s19 =	simm.s32 $0x1100  }
0x3: {  	s20 =	simm.s32 $0x1900;
	s1 =	sand.u32 $0x1, s1;
	s2 =	sshll.u32 s0, $0x1  }
0x4: {  	s21 =	simm.s32 $0x2100;
	s3 =	sor.u32 s1, s2;
	s2 =	simm.s32 $0x0  }
0x5: {  	s22 =	simm.s32 $0x2900;
	s23 =	simm.s32 $0x3100;
	[smem:$0x7FF] =	sst s2  }
0x6: {  	s24 =	simm.s32 $0x3900;
	_ =	strace $0x8000004A;
	[dreg:$0x5] =	wrdreg s18  }
0x7: {  	s6 =	simm.s32 $0x4100;
	s7 =	simm.s32 $0x4900;
	[dreg:$0x6] =	wrdreg s19  }
0x8: {  	s8 =	simm.s32 $0x5100;
	s9 =	simm.s32 $0x5900;
	[dreg:$0x7] =	wrdreg s20  }
0x9: {  	s11 =	simm.s32 $0x6100;
	s25 =	simm.s32 $0x6900;
	[dreg:$0x8] =	wrdreg s21  }
0xa: {  	s12 =	simm.s32 $0x7100;
	s26 =	simm.s32 $0x7900;
	[dreg:$0x9] =	wrdreg s22  }
0xb: {  	s13 =	simm.s32 $0x100;
	s14 =	simm.s32 $0x8100;
	[dreg:$0xa] =	wrdreg s23  }
0xc: {  	s16 =	simm.s32 $0x9100;
	s28 =	simm.s32 $0xE900;
	[dreg:$0xb] =	wrdreg s24  }
0xd: {  	s29 =	simm.s32 $0xF100;
	s30 =	simm.s32 $0xF900;
	[dreg:$0xc] =	wrdreg s6  }
0xe: {  	s31 =	simm.s32 $0x1;
	s1 =	ssub.s32 $0x2, s1;
	[dreg:$0xd] =	wrdreg s7  }
0xf: {  	s4 =	sshll.u32 s3, $0x5;
	s3 =	sshll.u32 s3, $0xD;
	[dreg:$0xe] =	wrdreg s8  }
0x10: {  	s5 =	sshrl.u32 s1, $0x1;
	s4 =	sadd.s32 s4, s10;
	[dreg:$0xf] =	wrdreg s9  }
0x11: {  	s3 =	sadd.s32 s3, s10;
	s1 =	ssub.s32 s1, s5;
	[dreg:$0x10] =	wrdreg s11  }
0x12: {  	s5 =	sadd.s32 $0xD1C00, s10;
	s6 =	sadd.s32 $0xD1D00, s10;
	[dreg:$0x11] =	wrdreg s25  }
0x13: {  	s7 =	sadd.s32 $0xD1E00, s10;
	s8 =	sadd.s32 $0xD1F00, s10;
	[dreg:$0x12] =	wrdreg s12  }
0x14: {  	s9 =	sadd.s32 $0xD2000, s10;
	s12 =	simm.s32 $0x3;
	[dreg:$0x13] =	wrdreg s26  }
0x15: {  	s18 =	simm.s32 $0xA100;
	s19 =	simm.s32 $0xA900;
	s20 =	simm.s32 $0xB100  }
0x16: {  	s21 =	simm.s32 $0xB900;
	s22 =	simm.s32 $0xC100;
	s23 =	simm.s32 $0xC900  }
0x17: {  	s24 =	simm.s32 $0xD100;
	s25 =	simm.s32 $0xD900;
	s4 =	sadd.s32 $0xD1600, s4  }
0x18: {  	s26 =	simm.s32 $0xE100;
	s17 =	sadd.s32 $0x1D1A00, s3;
	[dreg:$0x2] =	wrdreg s4  }
0x19: {  	v2 =	vlaneseq.u32;
	s3 =	sadd.s32 $0x1D2A00, s3;
	s11 =	smax.u32 s1, $0x1;
	[dreg:$0x3] =	wrdreg s17  }
0x1a: {  	vm0 =	vmmov $0xffff;
	v1 =	vshrl.u32 v2, $0x3;
	s1 =	simm.s32 $0x2;
	[dreg:$0x4] =	wrdreg s3;
	s3 =	sadd.s32 $0xD1A00, s10  }
0x1b: {  	v0 =	vand.u32 $0x7, v2;
	v2 =	vor.u32 $0x8, v2;
	v1 =	vmul.u32 $0x8, v1;
	s4 =	sadd.s32 $0xD1B00, s10;
	s10 =	sadd.s32 $0xD2100, s10;
	s17 =	simm.s32 $0x9900  }
.LBB2_1:
0x1c: {  	s0 =	rddreg [dreg:$0x2]  }
0x1d: {  	[tilespmem:s2], [sflag:$0x3] =	stream.linear.gather [hbm4b:s0+s2], $0x100, $0x38;
	[tilespmem:$0x10100] =	vst v63  }
0x1e: {  	_ =	swait.ge [sflag:s12], $0x100  }
0x1f: {  	[sflag:s12] =	ssyncset.done $0x0  }
0x20: {  	[sflag:s12] =	ssyncadd.s32 $0xFFFFFF00  }
0x21: {  	v3 =	vld [tilespmem:$0x0];
	_ =	sdelay $0x4  }
0x22: {  	v4 =	vshll.u32 v3, $0x4  }
0x23: {  	v3 =	vand.u32 $0x7, v3;
	v4 =	vand.u32 $0xFFFFFF80, v4  }
0x24: {  	v3 =	vor.u32 v3, v4  }
0x25: {  	v4 =	vperm.xlane v3, v0;
	_ =	sdelay $0x1  }
0x26: {  	v4 =	vadd.s32 v1, v4;
	_ =	sdelay $0x4  }
0x27: {  	[tilespmem:s13], [sflag:$0x1] =	stream.indirect_vreg.gather [hbm4b:s3+s2], $0x80, v4, vm0, $0xb8;
	[tilespmem:$0x10100] =	vst v63  }
0x28: {  	s0 =	rddreg [dreg:$0x5]  }
0x29: {  	[tilespmem:s0], [sflag:$0x1] =	stream.indirect_vreg.gather [hbm4b:s4+s2], $0x80, v4, vm0, $0xb8;
	[tilespmem:$0x10100] =	vst v63  }
0x2a: {  	s15 =	rddreg [dreg:$0x6]  }
0x2b: {  	[tilespmem:s15], [sflag:$0x1] =	stream.indirect_vreg.gather [hbm4b:s5+s2], $0x80, v4, vm0, $0xb8;
	[tilespmem:$0x10100] =	vst v63  }
0x2c: {  	s0 =	rddreg [dreg:$0x7]  }
0x2d: {  	[tilespmem:s0], [sflag:$0x1] =	stream.indirect_vreg.gather [hbm4b:s6+s2], $0x80, v4, vm0, $0xb8;
	[tilespmem:$0x10100] =	vst v63  }
0x2e: {  	s15 =	rddreg [dreg:$0x8]  }
0x2f: {  	[tilespmem:s15], [sflag:$0x1] =	stream.indirect_vreg.gather [hbm4b:s7+s2], $0x80, v4, vm0, $0xb8;
	[tilespmem:$0x10100] =	vst v63  }
0x30: {  	v3 =	vperm.xlane v3, v2;
	s0 =	rddreg [dreg:$0x9]  }
0x31: {  	[tilespmem:s0], [sflag:$0x1] =	stream.indirect_vreg.gather [hbm4b:s8+s2], $0x80, v4, vm0, $0xb8;
	[tilespmem:$0x10100] =	vst v63  }
0x32: {  	v3 =	vadd.s32 v1, v3;
	s15 =	rddreg [dreg:$0xa]  }
0x33: {  	[tilespmem:s15], [sflag:$0x1] =	stream.indirect_vreg.gather [hbm4b:s9+s2], $0x80, v4, vm0, $0xb8;
	[tilespmem:$0x10100] =	vst v63  }
0x34: {  	s0 =	rddreg [dreg:$0xb]  }
0x35: {  	[tilespmem:s0], [sflag:$0x1] =	stream.indirect_vreg.gather [hbm4b:s10+s2], $0x80, v4, vm0, $0xb8;
	[tilespmem:$0x10100] =	vst v63  }
0x36: {  	s15 =	rddreg [dreg:$0xc]  }
0x37: {  	[tilespmem:s15], [sflag:$0x1] =	stream.indirect_vreg.gather [hbm4b:s3+s2], $0x80, v3, vm0, $0xb8;
	[tilespmem:$0x10100] =	vst v63  }
0x38: {  	s0 =	rddreg [dreg:$0xd]  }
0x39: {  	[tilespmem:s0], [sflag:$0x1] =	stream.indirect_vreg.gather [hbm4b:s4+s2], $0x80, v3, vm0, $0xb8;
	[tilespmem:$0x10100] =	vst v63  }
0x3a: {  	s15 =	rddreg [dreg:$0xe]  }
0x3b: {  	[tilespmem:s15], [sflag:$0x1] =	stream.indirect_vreg.gather [hbm4b:s5+s2], $0x80, v3, vm0, $0xb8;
	[tilespmem:$0x10100] =	vst v63  }
0x3c: {  	s0 =	rddreg [dreg:$0xf]  }
0x3d: {  	[tilespmem:s0], [sflag:$0x1] =	stream.indirect_vreg.gather [hbm4b:s6+s2], $0x80, v3, vm0, $0xb8;
	[tilespmem:$0x10100] =	vst v63  }
0x3e: {  	s15 =	rddreg [dreg:$0x10]  }
0x3f: {  	[tilespmem:s15], [sflag:$0x1] =	stream.indirect_vreg.gather [hbm4b:s7+s2], $0x80, v3, vm0, $0xb8;
	[tilespmem:$0x10100] =	vst v63  }
0x40: {  	s0 =	rddreg [dreg:$0x11]  }
0x41: {  	[tilespmem:s0], [sflag:$0x1] =	stream.indirect_vreg.gather [hbm4b:s8+s2], $0x80, v3, vm0, $0xb8;
	[tilespmem:$0x10100] =	vst v63  }
0x42: {  	s15 =	rddreg [dreg:$0x12]  }
0x43: {  	[tilespmem:s15], [sflag:$0x1] =	stream.indirect_vreg.gather [hbm4b:s9+s2], $0x80, v3, vm0, $0xb8;
	[tilespmem:$0x10100] =	vst v63  }
0x44: {  	s0 =	rddreg [dreg:$0x13]  }
0x45: {  	[tilespmem:s0], [sflag:$0x1] =	stream.indirect_vreg.gather [hbm4b:s10+s2], $0x80, v3, vm0, $0xb8;
	[tilespmem:$0x10100] =	vst v63  }
0x46: {  	v3 =	vld [tilespmem:$0x80];
	_ =	sdelay $0x4  }
0x47: {  	v63 =	vshll.u32 v3, $0x4  }
0x48: {  	v3 =	vand.u32 $0x7, v3;
	v4 =	vand.u32 $0xFFFFFF80, v63  }
0x49: {  	v3 =	vor.u32 v3, v4  }
0x4a: {  	v4 =	vperm.xlane v3, v0;
	_ =	sdelay $0x1  }
0x4b: {  	v4 =	vadd.s32 v1, v4;
	_ =	sdelay $0x4  }
0x4c: {  	[tilespmem:s14], [sflag:$0x2] =	stream.indirect_vreg.gather [hbm4b:s3+s2], $0x80, v4, vm0, $0xb8;
	[tilespmem:$0x10100] =	vst v63  }
0x4d: {  	s15 =	simm.s32 $0x8900  }
0x4e: {  	[tilespmem:s15], [sflag:$0x2] =	stream.indirect_vreg.gather [hbm4b:s4+s2], $0x80, v4, vm0, $0xb8;
	[tilespmem:$0x10100] =	vst v63  }
0x4f: {  	_ = 	snop  }
0x50: {  	[tilespmem:s16], [sflag:$0x2] =	stream.indirect_vreg.gather [hbm4b:s5+s2], $0x80, v4, vm0, $0xb8;
	[tilespmem:$0x10100] =	vst v63  }
0x51: {  	_ = 	snop  }
0x52: {  	[tilespmem:s17], [sflag:$0x2] =	stream.indirect_vreg.gather [hbm4b:s6+s2], $0x80, v4, vm0, $0xb8;
	[tilespmem:$0x10100] =	vst v63  }
0x53: {  	_ = 	snop  }
0x54: {  	[tilespmem:s18], [sflag:$0x2] =	stream.indirect_vreg.gather [hbm4b:s7+s2], $0x80, v4, vm0, $0xb8;
	[tilespmem:$0x10100] =	vst v63  }
0x55: {  	v3 =	vperm.xlane v3, v2  }
0x56: {  	[tilespmem:s19], [sflag:$0x2] =	stream.indirect_vreg.gather [hbm4b:s8+s2], $0x80, v4, vm0, $0xb8;
	[tilespmem:$0x10100] =	vst v63  }
0x57: {  	v3 =	vadd.s32 v1, v3  }
0x58: {  	[tilespmem:s20], [sflag:$0x2] =	stream.indirect_vreg.gather [hbm4b:s9+s2], $0x80, v4, vm0, $0xb8;
	[tilespmem:$0x10100] =	vst v63  }
0x59: {  	_ = 	snop  }
0x5a: {  	[tilespmem:s21], [sflag:$0x2] =	stream.indirect_vreg.gather [hbm4b:s10+s2], $0x80, v4, vm0, $0xb8;
	[tilespmem:$0x10100] =	vst v63  }
0x5b: {  	_ = 	snop  }
0x5c: {  	[tilespmem:s22], [sflag:$0x2] =	stream.indirect_vreg.gather [hbm4b:s3+s2], $0x80, v3, vm0, $0xb8;
	[tilespmem:$0x10100] =	vst v63  }
0x5d: {  	_ = 	snop  }
0x5e: {  	[tilespmem:s23], [sflag:$0x2] =	stream.indirect_vreg.gather [hbm4b:s4+s2], $0x80, v3, vm0, $0xb8;
	[tilespmem:$0x10100] =	vst v63  }
0x5f: {  	_ = 	snop  }
0x60: {  	[tilespmem:s24], [sflag:$0x2] =	stream.indirect_vreg.gather [hbm4b:s5+s2], $0x80, v3, vm0, $0xb8;
	[tilespmem:$0x10100] =	vst v63  }
0x61: {  	_ = 	snop  }
0x62: {  	[tilespmem:s25], [sflag:$0x2] =	stream.indirect_vreg.gather [hbm4b:s6+s2], $0x80, v3, vm0, $0xb8;
	[tilespmem:$0x10100] =	vst v63  }
0x63: {  	_ = 	snop  }
0x64: {  	[tilespmem:s26], [sflag:$0x2] =	stream.indirect_vreg.gather [hbm4b:s7+s2], $0x80, v3, vm0, $0xb8;
	[tilespmem:$0x10100] =	vst v63  }
0x65: {  	_ = 	snop  }
0x66: {  	[tilespmem:s28], [sflag:$0x2] =	stream.indirect_vreg.gather [hbm4b:s8+s2], $0x80, v3, vm0, $0xb8;
	[tilespmem:$0x10100] =	vst v63  }
0x67: {  	_ = 	snop  }
0x68: {  	[tilespmem:s29], [sflag:$0x2] =	stream.indirect_vreg.gather [hbm4b:s9+s2], $0x80, v3, vm0, $0xb8;
	[tilespmem:$0x10100] =	vst v63  }
0x69: {  	_ = 	snop  }
0x6a: {  	[tilespmem:s30], [sflag:$0x2] =	stream.indirect_vreg.gather [hbm4b:s10+s2], $0x80, v3, vm0, $0xb8;
	[tilespmem:$0x10100] =	vst v63  }
0x6b: {  	_ =	swait.ge [sflag:s31], $0x8000  }
0x6c: {  	[sflag:s31] =	ssyncset.done $0x0  }
0x6d: {  	s15 =	rddreg [dreg:$0x3];
	[sflag:s31] =	ssyncadd.s32 $0xFFFF8000  }
0x6e: {  	[hbm4b:s15+s2] =	stream.linear.scatter [tilespmem:s13], [sflag:$0x3], $0x8000, $0x38;
	[tilespmem:$0x10100] =	vst v63  }
0x6f: {  	_ =	swait.ge [sflag:s12], $0x8000  }
0x70: {  	[sflag:s12] =	ssyncset.done $0x0  }
0x71: {  	[sflag:s12] =	ssyncadd.s32 $0xFFFF8000  }
0x72: {  	_ =	swait.ge [sflag:s1], $0x8000  }
0x73: {  	p0 =	sne.s32 s11, $0x1;
	[sflag:s1] =	ssyncset.done $0x0  }
.Ltmp0:
0x74: {  	s15 =	rddreg [dreg:$0x4];
	[sflag:s1] =	ssyncadd.s32 $0xFFFF8000;
	(pc) =	sbr.rel @p0 .LBB2_1-.Ltmp0, $4  }
0x75: {  	[hbm4b:s15+s2] =	stream.linear.scatter [tilespmem:s14], [sflag:$0x3], $0x8000, $0x38;
	[tilespmem:$0x10100] =	vst v63  }
0x76: {  	_ =	swait.ge [sflag:s12], $0x8000  }
0x77: {  	[sflag:s12] =	ssyncset.done $0x0  }
0x78: {  	s11 =	sadd.s32 $0xFFFFFFFF, s11;
	[sflag:s12] =	ssyncadd.s32 $0xFFFF8000  }
0x79: {  	_ =	sfence.sel $0x180000  }
0x7a: {  	[bflag:$0x0] =	sbarrier.arrive $0xFFFF  }
0x7b: {  	_ =	strace $0x9000004A  }
0x7c: {  	s0 =	stileid.u32;
	[bflag:$0x2] =	sbarrier.arrive $0xFFFF  }
0x7d: {  	p0 =	sne.s32 s0, $0x0;
	s0 =	rddreg [dreg:$0x1]  }
0x7e: {  	s0 =	sadd.s32 @!p0 $0x100000, s0  }
0x7f: {  	[sflag:s0] =	ssyncadd.tile.s32 @!p0 $0x1;
	_ =	shalt  }
.Lfunc_end2:
_tile_overlayer_lowered:
.L_overlay_start_2:
0x80: {  	(tag) =	ssettag $0x2  }
0x81: {  	s0 =	rddreg [dreg:$0x0];
	s2 =	stileid.u32  }
0x82: {  	s1 =	rddreg [dreg:$0x1];
	p0 =	sne.s32 s2, $0x0  }
0x83: {  	s3 =	rddreg [dreg:$0x2];
	[bflag:$0x3] =	sbarrier.arrive $0xFFFF;
	s2 =	simm.s32 @!p0 $0x1C03  }
0x84: {  	[timem:s3], [sflag:s2] =	dma.local @!p0 [hbm:s0], s1  }
0x85: {  	s0 =	simm.s32 @!p0 $0x3  }
0x86: {  	_ =	swait.ge @!p0 [sflag:s0], s1  }
0x87: {  	s1 =	ssub.s32 @!p0 $0x0, s1;
	[sflag:s0] =	ssyncset.done @!p0 $0x0  }
0x88: {  	[sflag:s0] =	ssyncadd.s32 @!p0 s1  }
0x89: {  	[bflag:$0x3] =	sbarrier.arrive $0xFFFF  }
0x8a: {  	_ =	shalt  }

// kernel: kernel.8.cloned.1.call-start
scs
__scs_entry_jumppad:
0x0: {  	(pc) =	sbr.rel $0x88, $3  }
0x1: {  	(tag) =	ssettag $0x0;
	lr =	simm.s32 $0x1  }
0x2: {  	[smem:$0x3F9D] =	sst lr;
	_ =	strace $0xD0000000  }
0x3: {  	_ = 	snop  }
0x4: {  	_ = 	snop  }
0x5: {  	_ = 	snop  }
0x6: {  	_ = 	snop  }
0x7: {  	_ = 	snop  }
__scs_overlays_trampoline_lowered:
0x8: {  	[smem:$0x3FAC] =	sst s0  }
0x9: {  	[smem:$0x3FAD] =	sst s1  }
0xa: {  	[smem:$0x3FAE] =	sst s2  }
0xb: {  	[smem:$0x3FAF] =	sst s3  }
0xc: {  	[smem:$0x3FB0] =	sst s4  }
0xd: {  	[smem:$0x3FB1] =	sst s5  }
0xe: {  	[smem:$0x3FB2] =	sst s6  }
0xf: {  	[smem:$0x3FB3] =	sst s7  }
0x10: {  	[smem:$0x3FB4] =	sst s8  }
0x11: {  	[smem:$0x3FB5] =	sst s9;
	s0 =	simm.s32 @!p0 $0x0  }
0x12: {  	s1 =	sld [smem:$0x3F9B];
	s0 =	simm.s32 @p0 $0x1  }
0x13: {  	[smem:$0x3FB6] =	sst s0;
	s0 =	simm.s32 @!p1 $0x0  }
0x14: {  	s2 =	sld [smem:$0x3F9A];
	s0 =	simm.s32 @p1 $0x1  }
0x15: {  	[smem:$0x3FB7] =	sst s0;
	s0 =	simm.s32 @!p2 $0x0  }
0x16: {  	s3 =	sld [smem:$0x3FDB];
	s0 =	simm.s32 @p2 $0x1  }
0x17: {  	s4 =	simm.s32 $0x1BF5;
	[smem:$0x3FB9] =	sst s0  }
0x18: {  	s0 =	sld [smem:$0x3F9C];
	_ =	swait.ge [sflag:s4], $0x0  }
0x19: {  	s7 =	sld [smem:$0x3F9D]  }
0x1a: {  	s8 =	sadd.s32 $0xFFFFE003, lr  }
0x1b: {  	s9 =	sadd.s32 $0xFFFFFEF7, lr;
	s5 =	simm.s32 $0xFFFFFFFF;
	p2 =	slt.u32 s8, $0xFFFFF086  }
0x1c: {  	p1 =	slt.u32 s9, $0xF7A;
	s5 =	simm.s32 @!p2 $0x0  }
0x1d: {  	s5 =	simm.s32 @p1 $0x1;
	p0 =	seq.s32 s7, s2  }
0x1e: {  	s7 =	smul.u32 @!p0 $0xF7A, s2;
	p2 =	seq.s32 @!p0 s5, $0x0  }
0x1f: {  	s9 =	smul.u32 $0xF7A, s1;
	s8 =	simm.s32 @!p0 $0x1BF5;
	p2 =	por !p2, p0  }
0x20: {  	[sflag:s8] =	ssyncset.s32 @!p0 $0xFFFFF086;
	s6 =	sadd.s32 @!p0 s3, s7;
	s7 =	simm.s32 @!p0 $0x108  }
0x21: {  	s3 =	sadd.s32 s3, s9;
	s6 =	sadd.s32 @!p0 $0x88, s6;
	s7 =	simm.s32 @p2 $0x1082  }
0x22: {  	[simem:s7], [sflag:s8] =	dma.local @!p0 [hbm:s6], $0xF7A  }
0x23: {  	s9 =	sor.u32 $0xD0000000, s2;
	s6 =	simm.s32 $0x108;
	_ =	swait.ge @!p0 [sflag:s8], $0x0  }
0x24: {  	s3 =	sadd.s32 $0x88, s3;
	s6 =	simm.s32 @!p1 $0x1082;
	[sflag:s4] =	ssyncset.s32 $0xFFFFF086  }
0x25: {  	[simem:s6], [sflag:s4] =	dma.local [hbm:s3], $0xF7A  }
0x26: {  	[smem:$0x3F9D] =	sst s1;
	(tag) =	ssettag s2;
	_ =	strace s9  }
0x27: {  	s1 =	sld [smem:$0x3FAD]  }
0x28: {  	s2 =	sld [smem:$0x3FAE]  }
0x29: {  	s4 =	sld [smem:$0x3FB0]  }
0x2a: {  	p0 =	seq.s32 s5, $0x0;
	s5 =	sld [smem:$0x3FB1]  }
0x2b: {  	s6 =	sld [smem:$0x3FB2]  }
0x2c: {  	s7 =	sld [smem:$0x3FB3]  }
0x2d: {  	s3 =	simm.s32 $0x108;
	s8 =	sld [smem:$0x3FB4]  }
0x2e: {  	s3 =	simm.s32 @!p0 $0x1082;
	s9 =	sld [smem:$0x3FB5]  }
0x2f: {  	lr =	sadd.s32 s0, s3;
	s0 =	sld [smem:$0x3FAC]  }
0x30: {  	s3 =	sld [smem:$0x3FAF]  }
0x31: {  	[smem:$0x3FB8] =	sst s10  }
0x32: {  	s10 =	sld [smem:$0x3FB6];
	_ =	sdelay $0x3  }
0x33: {  	p0 =	seq.s32 s10, $0x1;
	s10 =	sld [smem:$0x3FB8];
	_ =	sdelay $0x3  }
0x34: {  	[smem:$0x3FB8] =	sst s10  }
0x35: {  	s10 =	sld [smem:$0x3FB7];
	_ =	sdelay $0x3  }
0x36: {  	p1 =	seq.s32 s10, $0x1;
	s10 =	sld [smem:$0x3FB8];
	_ =	sdelay $0x3  }
0x37: {  	[smem:$0x3FB8] =	sst s10  }
0x38: {  	s10 =	sld [smem:$0x3FB9]  }
0x39: {  	_ = 	snop;
	(pc) =	sbr.ind lr, $3  }
0x3a: {  	_ = 	snop  }
0x3b: {  	_ = 	snop  }
0x3c: {  	p2 =	seq.s32 s10, $0x1;
	s10 =	sld [smem:$0x3FB8]  }
0x3d: {  	_ =	shalt  }
0x3e: {  	_ =	shalt  }
0x3f: {  	_ =	shalt  }
0x40: {  	_ =	shalt  }
0x41: {  	_ =	shalt  }
0x42: {  	_ =	shalt  }
0x43: {  	_ =	shalt  }
0x44: {  	_ =	shalt  }
0x45: {  	_ =	shalt  }
0x46: {  	_ =	shalt  }
0x47: {  	_ =	shalt  }
0x48: {  	_ =	shalt  }
0x49: {  	_ =	shalt  }
0x4a: {  	_ =	shalt  }
0x4b: {  	_ =	shalt  }
0x4c: {  	_ =	shalt  }
0x4d: {  	_ =	shalt  }
0x4e: {  	_ =	shalt  }
0x4f: {  	_ =	shalt  }
0x50: {  	_ =	shalt  }
0x51: {  	_ =	shalt  }
0x52: {  	_ =	shalt  }
0x53: {  	_ =	shalt  }
0x54: {  	_ =	shalt  }
0x55: {  	_ =	shalt  }
0x56: {  	_ =	shalt  }
0x57: {  	_ =	shalt  }
0x58: {  	_ =	shalt  }
0x59: {  	_ =	shalt  }
0x5a: {  	_ =	shalt  }
0x5b: {  	_ =	shalt  }
0x5c: {  	_ =	shalt  }
0x5d: {  	_ =	shalt  }
0x5e: {  	_ =	shalt  }
0x5f: {  	_ =	shalt  }
0x60: {  	_ =	shalt  }
0x61: {  	_ =	shalt  }
0x62: {  	_ =	shalt  }
0x63: {  	_ =	shalt  }
0x64: {  	_ =	shalt  }
0x65: {  	_ =	shalt  }
0x66: {  	_ =	shalt  }
0x67: {  	_ =	shalt  }
0x68: {  	_ =	shalt  }
0x69: {  	_ =	shalt  }
0x6a: {  	_ =	shalt  }
0x6b: {  	_ =	shalt  }
0x6c: {  	_ =	shalt  }
0x6d: {  	_ =	shalt  }
0x6e: {  	_ =	shalt  }
0x6f: {  	_ =	shalt  }
0x70: {  	_ =	shalt  }
0x71: {  	_ =	shalt  }
0x72: {  	_ =	shalt  }
0x73: {  	_ =	shalt  }
0x74: {  	_ =	shalt  }
0x75: {  	_ =	shalt  }
0x76: {  	_ =	shalt  }
0x77: {  	_ =	shalt  }
0x78: {  	_ =	shalt  }
0x79: {  	_ =	shalt  }
0x7a: {  	_ =	shalt  }
0x7b: {  	_ =	shalt  }
0x7c: {  	_ =	shalt  }
0x7d: {  	_ =	shalt  }
0x7e: {  	_ =	shalt  }
0x7f: {  	_ =	shalt  }
0x80: {  	_ =	shalt  }
0x81: {  	_ =	shalt  }
0x82: {  	_ =	shalt  }
0x83: {  	_ =	shalt  }
0x84: {  	_ =	shalt  }
0x85: {  	_ =	shalt  }
0x86: {  	_ =	shalt  }
0x87: {  	_ =	shalt  }
.Lfunc_end0:
.L_simem_size_0:
called_computation_lowered:
.L_overlay_start_0:
0x88: {  	s2 =	sld [smem:$0x3FD9]  }
0x89: {  	s3 =	sld [smem:$0x3FFE];
	_ =	sdelay $0x1  }
0x8a: {  	s1 =	srdreg.scid  }
0x8b: {  	s0 =	sand.u32 $0x1, s1  }
0x8c: {  	s14 =	sshll.u32 s0, $0xA;
	s2 =	sadd.s32 s3, s2  }
0x8d: {  	s2 =	sadd.s32 s2, s14  }
0x8e: {  	[smem:$0x3FC4] =	sst s2  }
0x8f: {  	_ = 	snop  }
0x90: {  	s2 =	sld [smem:$0x3FD0];
	_ =	sdelay $0x2  }
0x91: {  	s4 =	simm.s32 $0xB;
	s5 =	simm.s32 $0x10;
	s15 =	sld [smem:$0x3FC8]  }
0x92: {  	[smem:s5], [sflag:s4] =	dma.local [hbm:s2], $0x1  }
0x93: {  	_ =	swait.eq [sflag:s4], $0x1  }
0x94: {  	s16 =	sld [smem:$0x10];
	[sflag:s4] =	ssyncset.done $0x0  }
0x95: {  	s17 =	sld [smem:$0x11];
	[sflag:s4] =	ssyncadd.s32 $0xFFFFFFFF  }
0x96: {  	s18 =	sld [smem:$0x12];
	(tm) =	ssettm $0x1  }
0x97: {  	s6 =	sld [smem:$0x3FFB];
	_ =	sdelay $0x3  }
0x98: {  	_ =	strace s6  }
0x99: {  	s6 =	sld [smem:$0x3FFC];
	_ =	sdelay $0x3  }
0x9a: {  	_ =	strace s6  }
0x9b: {  	s6 =	sld [smem:$0x3FFD];
	_ =	sdelay $0x3  }
0x9c: {  	_ =	strace s6  }
0x9d: {  	_ =	strace $0x8FFFFFFF  }
0x9e: {  	s19 =	sld [smem:$0x3FDB];
	_ =	sdelay $0x1  }
0x9f: {  	s7 =	simm.s32 $_scs_section_size  }
0xa0: {  	s8 =	simm.s32 $_size__tile_overlayer_lowered;
	s9 =	simm.s32 $_tile_overlayer_lowered  }
0xa1: {  	s22 =	simm.s32 $0x1BFF;
	s21 =	sshll.u32 s9, $0x1;
	s6 =	sadd.s32 s7, s19  }
0xa2: {  	s10 =	simm.s32 $0x0;
	s20 =	sshll.u32 s8, $0x1;
	s8 =	sadd.s32 s21, s6  }
0xa3: {  	[timem:s10], [sflag:s22] =	dma.local [hbm:s8], s20  }
0xa4: {  	_ =	swait.ge [sflag:s22], s20  }
0xa5: {  	s7 =	ssub.s32 $0x0, s20;
	[sflag:s22] =	ssyncset.done $0x0  }
0xa6: {  	[sflag:s22] =	ssyncadd.s32 s7;
	_ =	sdelay $0x1  }
0xa7: {  	s23 =	simm.s32 $0x1B8B  }
0xa8: {  	_ =	swait.ge [sflag:s23], $0x1  }
0xa9: {  	[sflag:s23] =	ssyncset.done $0x0  }
0xaa: {  	s25 =	simm.s32 $0x1B8E;
	s24 =	sld [smem:$0x3FFE];
	[sflag:s23] =	ssyncadd.s32 $0xFFFFFFFF  }
0xab: {  	s26 =	simm.s32 $execute0_lowered;
	[smem:$0x3FD2] =	sst s25  }
0xac: {  	s8 =	sshll.u32 s26, $0x1;
	_ =	strace $0x80000046;
	[dreg:$0x1] =	wrdreg $0xFFFFFFFF  }
0xad: {  	s28 =	simm.s32 $_size_execute0_lowered;
	s6 =	sadd.s32 s6, s8;
	[dreg:$0x0] =	wrdreg $0x0  }
0xae: {  	s8 =	sshll.u32 s28, $0x1;
	[dreg:$0x2] =	wrdreg s6  }
0xaf: {  	[dreg:$0x3] =	wrdreg s8  }
0xb0: {  	[dreg:$0x4] =	wrdreg $0xC0  }
0xb1: {  	_ =	task [dreg:s10], $0x5FFFF  }
0xb2: {  	[dreg:$0x1] =	wrdreg $0xFFFFFFFF  }
0xb3: {  	[dreg:$0x0] =	wrdreg $0x60  }
0xb4: {  	[dreg:$0x2] =	wrdreg s24  }
0xb5: {  	[dreg:$0x3] =	wrdreg s15  }
0xb6: {  	[dreg:$0x4] =	wrdreg s18  }
0xb7: {  	[dreg:$0x5] =	wrdreg s16  }
0xb8: {  	[dreg:$0x6] =	wrdreg s17  }
0xb9: {  	[dreg:$0x7] =	wrdreg $0x9  }
0xba: {  	_ =	task.clear_ibuf [dreg:s10], $0x8FFFF;
	_ =	strace $0x90000046  }
0xbb: {  	s29 =	simm.s32 $0x9;
	_ =	strace $0x80000048  }
0xbc: {  	_ =	swait.ge [sflag:s29], $0x1  }
0xbd: {  	[sflag:s29] =	ssyncadd.s32 $0xFFFFFFFF  }
0xbe: {  	_ =	strace $0x90000048  }
0xbf: {  	_ =	sfence  }
0xc0: {  	s30 =	sld [smem:$0x0];
	_ =	sdelay $0x2  }
0xc1: {  	s31 =	sshll.u32 s1, $0xD;
	s1 =	sshrl.u32 s1, $0x2  }
0xc2: {  	s3 =	sand.u32 $0x4000, s31;
	s1 =	sadd.s32 s1, s30  }
0xc3: {  	s0 =	sor.u32 s3, s0;
	s1 =	sshll.u32 s1, $0x11  }
0xc4: {  	s0 =	sor.u32 s1, s0  }
0xc5: {  	s0 =	sadd.s32 $0x8F2B, s0  }
0xc6: {  	[sflag:s0] =	ssyncadd.remote.s32 $0x1  }
0xc7: {  	_ =	sfence.sel $0xFFFF  }
0xc8: {  	[dreg:$0x0] =	wrdreg $0xFFFFFFFF;
	(pc) =	sbr.abs _section_cstart, $3  }
0xc9: {  	[dreg:$0x1] =	wrdreg $0xFFFFFFFF  }
0xca: {  	_ =	task.clear_ibuf [dreg:s10], $0x2FFFF;
	_ =	strace $0x9FFFFFFF  }
0xcb: {  	(tm) =	ssettm $0x7FFFFFFF  }
tec
execute0_lowered:
.L_overlay_start_1:
0x0: {  	(tag) =	ssettag $0x1  }
0x1: {  	s0 =	rddreg [dreg:$0x0]  }
0x2: {  	s2 =	srdreg.scid;
	s25 =	rddreg [dreg:$0x1]  }
0x3: {  	s3 =	stileid.u32;
	s5 =	rddreg [dreg:$0x2]  }
0x4: {  	s21 =	rddreg [dreg:$0x3];
	s8 =	sand.u32 $0x1, s2;
	s3 =	sshll.u32 s3, $0x1  }
0x5: {  	s23 =	rddreg [dreg:$0x4];
	s20 =	sor.u32 s8, s3;
	s3 =	simm.s32 $0x0  }
0x6: {  	s1 =	sadd.s32 $0xE00, s0;
	[smem:$0x7FF] =	sst s3  }
0x7: {  	s29 =	sadd.s32 $0xF00, s0;
	_ =	strace $0x80000047;
	[dreg:$0x11] =	wrdreg s1  }
0x8: {  	s30 =	sadd.s32 $0x100, s25;
	[dreg:$0x12] =	wrdreg s29  }
0x9: {  	s31 =	sadd.s32 $0x200, s25;
	[dreg:$0x14] =	wrdreg s30  }
0xa: {  	s2 =	sadd.s32 $0x400, s25;
	s6 =	sshll.u32 s8, $0x9;
	[dreg:$0x15] =	wrdreg s31  }
0xb: {  	s17 =	ssub.s32 $0x2, s8;
	s8 =	sadd.s32 $0x800, s25;
	[dreg:$0x17] =	wrdreg s2  }
0xc: {  	s10 =	sadd.s32 $0x900, s25;
	[dreg:$0x1b] =	wrdreg s8  }
0xd: {  	s12 =	sadd.s32 $0xA00, s25;
	[dreg:$0x1c] =	wrdreg s10  }
0xe: {  	s14 =	sadd.s32 $0xB00, s25;
	[dreg:$0x1d] =	wrdreg s12  }
0xf: {  	s15 =	sadd.s32 $0xC00, s25;
	s16 =	sadd.s32 $0xD00, s25;
	[dreg:$0x1e] =	wrdreg s14  }
0x10: {  	s22 =	sshll.u32 s20, $0x9;
	s18 =	sshll.u32 s20, $0x2;
	[dreg:$0x1f] =	wrdreg s15  }
0x11: {  	s7 =	sshll.u32 s20, $0xE;
	s5 =	sadd.s32 s5, s18;
	[smem:$0x7F9] =	sst s16  }
0x12: {  	s20 =	sshll.u32 s20, $0xB;
	s1 =	sadd.s32 $0x300, s25;
	[dreg:$0x6] =	wrdreg s5  }
0x13: {  	s24 =	sadd.s32 s7, s0;
	s7 =	sadd.s32 $0x700, s25;
	[dreg:$0x16] =	wrdreg s1  }
0x14: {  	s18 =	sadd.s32 s21, s20;
	[dreg:$0x1a] =	wrdreg s7  }
0x15: {  	s20 =	sadd.s32 $0xE00, s25;
	[smem:$0x7FA] =	sst s18  }
0x16: {  	s21 =	simm.s32 $0xA80;
	[smem:$0x7FB] =	sst s20  }
0x17: {  	s29 =	sadd.s32 $0xF00, s25;
	[dreg:$0xd] =	wrdreg s21  }
0x18: {  	s30 =	simm.s32 $0x3280;
	[smem:$0x7FD] =	sst s29  }
0x19: {  	s31 =	simm.s32 $0x4680;
	[dreg:$0xf] =	wrdreg s30  }
0x1a: {  	s19 =	sshrl.u32 s17, $0x1;
	s5 =	sadd.s32 $0x500, s25;
	[dreg:$0x10] =	wrdreg s31  }
0x1b: {  	s4 =	sand.u32 $0x3C00, s22;
	s9 =	sadd.s32 $0x51600, s24;
	[dreg:$0x18] =	wrdreg s5  }
0x1c: {  	s4 =	sor.u32 s6, s4;
	s11 =	sadd.s32 $0x52600, s24;
	[dreg:$0x8] =	wrdreg s9  }
0x1d: {  	s13 =	sadd.s32 $0x53600, s24;
	s6 =	sshrl.u32 s4, $0x3;
	[dreg:$0x9] =	wrdreg s11  }
0x1e: {  	s4 =	ssub.s32 s17, s19;
	[dreg:$0xa] =	wrdreg s13;
	s17 =	sadd.s32 $0x54600, s24  }
0x1f: {  	s28 =	simm.s32 $0xCA80;
	s19 =	simm.s32 $0x80;
	[dreg:$0xb] =	wrdreg s17  }
0x20: {  	s21 =	simm.s32 $0x9A80;
	s24 =	sadd.s32 s23, s22;
	[dreg:$0xc] =	wrdreg s19  }
0x21: {  	s6 =	sadd.s32 s6, s0;
	s0 =	sadd.s32 $0x1000, s0;
	[smem:$0x7FC] =	sst s24  }
0x22: {  	s5 =	simm.s32 $0x5280;
	s26 =	sadd.s32 $0x50E00, s6;
	[dreg:$0x13] =	wrdreg s0  }
0x23: {  	v2 =	vlaneseq.u32;
	s23 =	simm.s32 $0xA280;
	s6 =	sadd.s32 $0x600, s25;
	[dreg:$0x7] =	wrdreg s26  }
0x24: {  	vm0 =	vmmov $0xffff;
	vm1 =	vmmov $0xff;
	v1 =	vshrl.u32 v2, $0x3;
	s24 =	smax.u32 s4, $0x1;
	[dreg:$0x19] =	wrdreg s6;
	s26 =	simm.s32 $0x1E80  }
0x25: {  	v0 =	vand.u32 $0x7, v2;
	v2 =	vor.u32 $0x8, v2;
	v1 =	vmul.u32 $0x8, v1;
	s25 =	simm.s32 $0x4;
	[dreg:$0xe] =	wrdreg s26;
	s26 =	simm.s32 $0x8A80  }
.LBB2_1:
0x26: {  	s30 =	rddreg [dreg:$0x6]  }
0x27: {  	[tilespmem:s3], [sflag:$0x4] =	stream.linear.gather [hbm4b:s30+s3], $0x20, $0x38;
	[tilespmem:$0x15280] =	vst v63  }
0x28: {  	_ =	swait.ge [sflag:s25], $0x20  }
0x29: {  	s22 =	rddreg [dreg:$0x7];
	[sflag:s25] =	ssyncset.done $0x0  }
0x2a: {  	s31 =	rddreg [dreg:$0xc];
	[sflag:s25] =	ssyncadd.s32 $0xFFFFFFE0  }
0x2b: {  	[tilespmem:s31], [sflag:$0x4] =	stream.linear.gather [hbm4b:s22+s3], $0x200, $0x38;
	[tilespmem:$0x15280] =	vst v63  }
0x2c: {  	_ =	swait.ge [sflag:s25], $0x200  }
0x2d: {  	[sflag:s25] =	ssyncset.done $0x0  }
0x2e: {  	[sflag:s25] =	ssyncadd.s32 $0xFFFFFE00  }
0x2f: {  	v3 =	vld [tilespmem:$0x0];
	_ =	sdelay $0x4  }
0x30: {  	v4 =	vshrl.u32 v3, $0x3  }
0x31: {  	v4 =	vmul.u32 $0x28, v4  }
0x32: {  	v3 =	vand.u32 $0x7, v3  }
0x33: {  	v3 =	vor.u32 v3, v4  }
0x34: {  	v4 =	vperm.xlane v3, v0;
	_ =	sdelay $0x1  }
0x35: {  	v4 =	vadd.s32 v1, v4;
	_ =	sdelay $0x2  }
0x36: {  	s29 =	rddreg [dreg:$0xd]  }
0x37: {  	s0 =	simm.s32 $0x280;
	s1 =	rddreg [dreg:$0x11];
	v3 =	vperm.xlane v3, v2  }
0x38: {  	[tilespmem:s0], [sflag:$0x1] =	stream.indirect_vreg.gather [hbm4b:s1+s3], $0x80, v4, vm0, $0xb8;
	[tilespmem:$0x15280] =	vst v63  }
0x39: {  	s2 =	rddreg [dreg:$0x12];
	v3 =	vadd.s32 v1, v3  }
0x3a: {  	[tilespmem:s29], [sflag:$0x1] =	stream.indirect_vreg.gather [hbm4b:s2+s3], $0x80, v4, vm0, $0xb8;
	[tilespmem:$0x15280] =	vst v63  }
0x3b: {  	s31 =	simm.s32 $0x1280;
	s4 =	rddreg [dreg:$0x13]  }
0x3c: {  	[tilespmem:s31], [sflag:$0x1] =	stream.indirect_vreg.gather [hbm4b:s4+s3], $0x80, v4, vm1, $0xb8;
	[tilespmem:$0x15280] =	vst v63  }
0x3d: {  	s7 =	simm.s32 $0x1680  }
0x3e: {  	[tilespmem:s7], [sflag:$0x1] =	stream.indirect_vreg.gather [hbm4b:s1+s3], $0x80, v3, vm0, $0xb8;
	[tilespmem:$0x15280] =	vst v63  }
0x3f: {  	s6 =	rddreg [dreg:$0xe]  }
0x40: {  	[tilespmem:s6], [sflag:$0x1] =	stream.indirect_vreg.gather [hbm4b:s2+s3], $0x80, v3, vm0, $0xb8;
	[tilespmem:$0x15280] =	vst v63  }
0x41: {  	s8 =	simm.s32 $0x2680  }
0x42: {  	[tilespmem:s8], [sflag:$0x1] =	stream.indirect_vreg.gather [hbm4b:s4+s3], $0x80, v3, vm1, $0xb8;
	[tilespmem:$0x15280] =	vst v63  }
0x43: {  	v3 =	vld [tilespmem:$0x10];
	_ =	sdelay $0x4  }
0x44: {  	v59 =	vshrl.u32 v3, $0x3  }
0x45: {  	v4 =	vmul.u32 $0x28, v59  }
0x46: {  	v3 =	vand.u32 $0x7, v3  }
0x47: {  	v3 =	vor.u32 v3, v4  }
0x48: {  	v4 =	vperm.xlane v3, v0;
	_ =	sdelay $0x1  }
0x49: {  	v4 =	vadd.s32 v1, v4;
	_ =	sdelay $0x3  }
0x4a: {  	s10 =	simm.s32 $0x2A80;
	v3 =	vperm.xlane v3, v2  }
0x4b: {  	[tilespmem:s10], [sflag:$0x1] =	stream.indirect_vreg.gather [hbm4b:s1+s3], $0x80, v4, vm0, $0xb8;
	[tilespmem:$0x15280] =	vst v63  }
0x4c: {  	s9 =	rddreg [dreg:$0xf];
	v3 =	vadd.s32 v1, v3  }
0x4d: {  	[tilespmem:s9], [sflag:$0x1] =	stream.indirect_vreg.gather [hbm4b:s2+s3], $0x80, v4, vm0, $0xb8;
	[tilespmem:$0x15280] =	vst v63  }
0x4e: {  	s11 =	simm.s32 $0x3A80  }
0x4f: {  	[tilespmem:s11], [sflag:$0x1] =	stream.indirect_vreg.gather [hbm4b:s4+s3], $0x80, v4, vm1, $0xb8;
	[tilespmem:$0x15280] =	vst v63  }
0x50: {  	s13 =	simm.s32 $0x3E80  }
0x51: {  	[tilespmem:s13], [sflag:$0x1] =	stream.indirect_vreg.gather [hbm4b:s1+s3], $0x80, v3, vm0, $0xb8;
	[tilespmem:$0x15280] =	vst v63  }
0x52: {  	s12 =	rddreg [dreg:$0x10]  }
0x53: {  	[tilespmem:s12], [sflag:$0x1] =	stream.indirect_vreg.gather [hbm4b:s2+s3], $0x80, v3, vm0, $0xb8;
	[tilespmem:$0x15280] =	vst v63  }
0x54: {  	s14 =	simm.s32 $0x4E80  }
0x55: {  	[tilespmem:s14], [sflag:$0x1] =	stream.indirect_vreg.gather [hbm4b:s4+s3], $0x80, v3, vm1, $0xb8;
	[tilespmem:$0x15280] =	vst v63  }
0x56: {  	v3 =	vld.msk [tilespmem:$0x80], $0xff;
	_ =	sdelay $0x4  }
0x57: {  	v60 =	vshll.u32 v3, $0x5  }
0x58: {  	v3 =	vand.u32 $0x7, v3;
	v4 =	vand.u32 $0xFFFFFF00, v60  }
0x59: {  	v3 =	vor.u32 v3, v4  }
0x5a: {  	v3 =	vperm.xlane v3, v0;
	_ =	sdelay $0x1  }
0x5b: {  	v3 =	vadd.s32 v1, v3;
	_ =	sdelay $0x2  }
0x5c: {  	s0 =	rddreg [dreg:$0x1c]  }
0x5d: {  	s29 =	rddreg [dreg:$0x1]  }
0x5e: {  	[tilespmem:s5], [sflag:$0x2] =	stream.indirect_vreg.gather [hbm4b:s29+s3], $0x80, v3, vm0, $0xb8;
	[tilespmem:$0x15280] =	vst v63  }
0x5f: {  	s15 =	simm.s32 $0x5A80;
	s8 =	rddreg [dreg:$0x14]  }
0x60: {  	[tilespmem:s15], [sflag:$0x2] =	stream.indirect_vreg.gather [hbm4b:s8+s3], $0x80, v3, vm0, $0xb8;
	[tilespmem:$0x15280] =	vst v63  }
0x61: {  	s16 =	simm.s32 $0x6280;
	s9 =	rddreg [dreg:$0x15]  }
0x62: {  	[tilespmem:s16], [sflag:$0x2] =	stream.indirect_vreg.gather [hbm4b:s9+s3], $0x80, v3, vm0, $0xb8;
	[tilespmem:$0x15280] =	vst v63  }
0x63: {  	s17 =	simm.s32 $0x6A80;
	s10 =	rddreg [dreg:$0x16]  }
0x64: {  	[tilespmem:s17], [sflag:$0x2] =	stream.indirect_vreg.gather [hbm4b:s10+s3], $0x80, v3, vm0, $0xb8;
	[tilespmem:$0x15280] =	vst v63  }
0x65: {  	s18 =	simm.s32 $0x7280;
	s11 =	rddreg [dreg:$0x17]  }
0x66: {  	[tilespmem:s18], [sflag:$0x2] =	stream.indirect_vreg.gather [hbm4b:s11+s3], $0x80, v3, vm0, $0xb8;
	[tilespmem:$0x15280] =	vst v63  }
0x67: {  	s19 =	simm.s32 $0x7A80;
	s12 =	rddreg [dreg:$0x18]  }
0x68: {  	[tilespmem:s19], [sflag:$0x2] =	stream.indirect_vreg.gather [hbm4b:s12+s3], $0x80, v3, vm0, $0xb8;
	[tilespmem:$0x15280] =	vst v63  }
0x69: {  	s20 =	simm.s32 $0x8280;
	s13 =	rddreg [dreg:$0x19]  }
0x6a: {  	[tilespmem:s20], [sflag:$0x2] =	stream.indirect_vreg.gather [hbm4b:s13+s3], $0x80, v3, vm0, $0xb8;
	[tilespmem:$0x15280] =	vst v63  }
0x6b: {  	s14 =	rddreg [dreg:$0x1a]  }
0x6c: {  	[tilespmem:s26], [sflag:$0x2] =	stream.indirect_vreg.gather [hbm4b:s14+s3], $0x80, v3, vm0, $0xb8;
	[tilespmem:$0x15280] =	vst v63  }
0x6d: {  	s15 =	rddreg [dreg:$0x1b];
	s16 =	simm.s32 $0x9280  }
0x6e: {  	[tilespmem:s16], [sflag:$0x2] =	stream.indirect_vreg.gather [hbm4b:s15+s3], $0x80, v3, vm0, $0xb8;
	[tilespmem:$0x15280] =	vst v63  }
0x6f: {  	s17 =	rddreg [dreg:$0x1d]  }
0x70: {  	[tilespmem:s21], [sflag:$0x2] =	stream.indirect_vreg.gather [hbm4b:s0+s3], $0x80, v3, vm0, $0xb8;
	[tilespmem:$0x15280] =	vst v63  }
0x71: {  	s18 =	rddreg [dreg:$0x1e]  }
0x72: {  	[tilespmem:s23], [sflag:$0x2] =	stream.indirect_vreg.gather [hbm4b:s17+s3], $0x80, v3, vm0, $0xb8;
	[tilespmem:$0x15280] =	vst v63  }
0x73: {  	s31 =	simm.s32 $0xAA80;
	s19 =	rddreg [dreg:$0x1f]  }
0x74: {  	[tilespmem:s31], [sflag:$0x2] =	stream.indirect_vreg.gather [hbm4b:s18+s3], $0x80, v3, vm0, $0xb8;
	[tilespmem:$0x15280] =	vst v63  }
0x75: {  	s22 =	simm.s32 $0xB280;
	s20 =	sld [smem:$0x7F9]  }
0x76: {  	[tilespmem:s22], [sflag:$0x2] =	stream.indirect_vreg.gather [hbm4b:s19+s3], $0x80, v3, vm0, $0xb8;
	[tilespmem:$0x15280] =	vst v63  }
0x77: {  	s6 =	simm.s32 $0xBA80;
	s22 =	sld [smem:$0x7FB]  }
0x78: {  	[tilespmem:s6], [sflag:$0x2] =	stream.indirect_vreg.gather [hbm4b:s20+s3], $0x80, v3, vm0, $0xb8;
	[tilespmem:$0x15280] =	vst v63  }
0x79: {  	s7 =	simm.s32 $0xC280;
	s1 =	sld [smem:$0x7FD]  }
0x7a: {  	[tilespmem:s7], [sflag:$0x2] =	stream.indirect_vreg.gather [hbm4b:s22+s3], $0x80, v3, vm0, $0xb8;
	[tilespmem:$0x15280] =	vst v63  }
0x7b: {  	_ = 	snop  }
0x7c: {  	[tilespmem:s28], [sflag:$0x2] =	stream.indirect_vreg.gather [hbm4b:s1+s3], $0x80, v3, vm0, $0xb8;
	[tilespmem:$0x15280] =	vst v63  }
0x7d: {  	v3 =	vld.msk [tilespmem:$0x100], $0xff;
	_ =	sdelay $0x4  }
0x7e: {  	v61 =	vshll.u32 v3, $0x5  }
0x7f: {  	v3 =	vand.u32 $0x7, v3;
	v4 =	vand.u32 $0xFFFFFF00, v61  }
0x80: {  	v3 =	vor.u32 v3, v4  }
0x81: {  	v3 =	vperm.xlane v3, v0;
	_ =	sdelay $0x1  }
0x82: {  	v3 =	vadd.s32 v1, v3;
	_ =	sdelay $0x3  }
0x83: {  	s4 =	simm.s32 $0xD280  }
0x84: {  	[tilespmem:s4], [sflag:$0x3] =	stream.indirect_vreg.gather [hbm4b:s29+s3], $0x80, v3, vm0, $0xb8;
	[tilespmem:$0x15280] =	vst v63  }
0x85: {  	s30 =	simm.s32 $0xDA80  }
0x86: {  	[tilespmem:s30], [sflag:$0x3] =	stream.indirect_vreg.gather [hbm4b:s8+s3], $0x80, v3, vm0, $0xb8;
	[tilespmem:$0x15280] =	vst v63  }
0x87: {  	s30 =	simm.s32 $0xE280  }
0x88: {  	[tilespmem:s30], [sflag:$0x3] =	stream.indirect_vreg.gather [hbm4b:s9+s3], $0x80, v3, vm0, $0xb8;
	[tilespmem:$0x15280] =	vst v63  }
0x89: {  	s30 =	simm.s32 $0xEA80  }
0x8a: {  	[tilespmem:s30], [sflag:$0x3] =	stream.indirect_vreg.gather [hbm4b:s10+s3], $0x80, v3, vm0, $0xb8;
	[tilespmem:$0x15280] =	vst v63  }
0x8b: {  	s30 =	simm.s32 $0xF280  }
0x8c: {  	[tilespmem:s30], [sflag:$0x3] =	stream.indirect_vreg.gather [hbm4b:s11+s3], $0x80, v3, vm0, $0xb8;
	[tilespmem:$0x15280] =	vst v63  }
0x8d: {  	s30 =	simm.s32 $0xFA80  }
0x8e: {  	[tilespmem:s30], [sflag:$0x3] =	stream.indirect_vreg.gather [hbm4b:s12+s3], $0x80, v3, vm0, $0xb8;
	[tilespmem:$0x15280] =	vst v63  }
0x8f: {  	s30 =	simm.s32 $0x10280  }
0x90: {  	[tilespmem:s30], [sflag:$0x3] =	stream.indirect_vreg.gather [hbm4b:s13+s3], $0x80, v3, vm0, $0xb8;
	[tilespmem:$0x15280] =	vst v63  }
0x91: {  	s30 =	simm.s32 $0x10A80  }
0x92: {  	[tilespmem:s30], [sflag:$0x3] =	stream.indirect_vreg.gather [hbm4b:s14+s3], $0x80, v3, vm0, $0xb8;
	[tilespmem:$0x15280] =	vst v63  }
0x93: {  	s30 =	simm.s32 $0x11280  }
0x94: {  	[tilespmem:s30], [sflag:$0x3] =	stream.indirect_vreg.gather [hbm4b:s15+s3], $0x80, v3, vm0, $0xb8;
	[tilespmem:$0x15280] =	vst v63  }
0x95: {  	s30 =	simm.s32 $0x11A80  }
0x96: {  	[tilespmem:s30], [sflag:$0x3] =	stream.indirect_vreg.gather [hbm4b:s0+s3], $0x80, v3, vm0, $0xb8;
	[tilespmem:$0x15280] =	vst v63  }
0x97: {  	s30 =	simm.s32 $0x12280  }
0x98: {  	[tilespmem:s30], [sflag:$0x3] =	stream.indirect_vreg.gather [hbm4b:s17+s3], $0x80, v3, vm0, $0xb8;
	[tilespmem:$0x15280] =	vst v63  }
0x99: {  	s30 =	simm.s32 $0x12A80  }
0x9a: {  	[tilespmem:s30], [sflag:$0x3] =	stream.indirect_vreg.gather [hbm4b:s18+s3], $0x80, v3, vm0, $0xb8;
	[tilespmem:$0x15280] =	vst v63  }
0x9b: {  	s30 =	simm.s32 $0x13280  }
0x9c: {  	[tilespmem:s30], [sflag:$0x3] =	stream.indirect_vreg.gather [hbm4b:s19+s3], $0x80, v3, vm0, $0xb8;
	[tilespmem:$0x15280] =	vst v63  }
0x9d: {  	s30 =	simm.s32 $0x13A80  }
0x9e: {  	[tilespmem:s30], [sflag:$0x3] =	stream.indirect_vreg.gather [hbm4b:s20+s3], $0x80, v3, vm0, $0xb8;
	[tilespmem:$0x15280] =	vst v63  }
0x9f: {  	s30 =	simm.s32 $0x14280  }
0xa0: {  	[tilespmem:s30], [sflag:$0x3] =	stream.indirect_vreg.gather [hbm4b:s22+s3], $0x80, v3, vm0, $0xb8;
	[tilespmem:$0x15280] =	vst v63  }
0xa1: {  	s2 =	simm.s32 $0x2;
	s30 =	simm.s32 $0x14A80  }
0xa2: {  	[tilespmem:s30], [sflag:$0x3] =	stream.indirect_vreg.gather [hbm4b:s1+s3], $0x80, v3, vm0, $0xb8;
	[tilespmem:$0x15280] =	vst v63  }
0xa3: {  	_ =	swait.ge [sflag:s2], $0x8000  }
0xa4: {  	[sflag:s2] =	ssyncset.done $0x0  }
0xa5: {  	s30 =	rddreg [dreg:$0x8];
	[sflag:s2] =	ssyncadd.s32 $0xFFFF8000  }
0xa6: {  	[hbm4b:s30+s3] =	stream.linear.scatter [tilespmem:s5], [sflag:$0x4], $0x8000, $0x38;
	[tilespmem:$0x15280] =	vst v63  }
0xa7: {  	_ =	swait.ge [sflag:s25], $0x8000  }
0xa8: {  	[sflag:s25] =	ssyncset.done $0x0  }
0xa9: {  	[sflag:s25] =	ssyncadd.s32 $0xFFFF8000  }
0xaa: {  	v3 =	vld.msk [tilespmem:$0x180], $0xff;
	_ =	sdelay $0x4  }
0xab: {  	v62 =	vshll.u32 v3, $0x5  }
0xac: {  	v3 =	vand.u32 $0x7, v3;
	v4 =	vand.u32 $0xFFFFFF00, v62  }
0xad: {  	v3 =	vor.u32 v3, v4  }
0xae: {  	v3 =	vperm.xlane v3, v0;
	_ =	sdelay $0x1  }
0xaf: {  	v3 =	vadd.s32 v1, v3;
	_ =	sdelay $0x4  }
0xb0: {  	[tilespmem:s5], [sflag:$0x2] =	stream.indirect_vreg.gather [hbm4b:s29+s3], $0x80, v3, vm0, $0xb8;
	[tilespmem:$0x15280] =	vst v63  }
0xb1: {  	s30 =	simm.s32 $0x5A80  }
0xb2: {  	[tilespmem:s30], [sflag:$0x2] =	stream.indirect_vreg.gather [hbm4b:s8+s3], $0x80, v3, vm0, $0xb8;
	[tilespmem:$0x15280] =	vst v63  }
0xb3: {  	s30 =	simm.s32 $0x6280  }
0xb4: {  	[tilespmem:s30], [sflag:$0x2] =	stream.indirect_vreg.gather [hbm4b:s9+s3], $0x80, v3, vm0, $0xb8;
	[tilespmem:$0x15280] =	vst v63  }
0xb5: {  	s30 =	simm.s32 $0x6A80  }
0xb6: {  	[tilespmem:s30], [sflag:$0x2] =	stream.indirect_vreg.gather [hbm4b:s10+s3], $0x80, v3, vm0, $0xb8;
	[tilespmem:$0x15280] =	vst v63  }
0xb7: {  	s30 =	simm.s32 $0x7280  }
0xb8: {  	[tilespmem:s30], [sflag:$0x2] =	stream.indirect_vreg.gather [hbm4b:s11+s3], $0x80, v3, vm0, $0xb8;
	[tilespmem:$0x15280] =	vst v63  }
0xb9: {  	s30 =	simm.s32 $0x7A80  }
0xba: {  	[tilespmem:s30], [sflag:$0x2] =	stream.indirect_vreg.gather [hbm4b:s12+s3], $0x80, v3, vm0, $0xb8;
	[tilespmem:$0x15280] =	vst v63  }
0xbb: {  	s30 =	simm.s32 $0x8280  }
0xbc: {  	[tilespmem:s30], [sflag:$0x2] =	stream.indirect_vreg.gather [hbm4b:s13+s3], $0x80, v3, vm0, $0xb8;
	[tilespmem:$0x15280] =	vst v63  }
0xbd: {  	_ = 	snop  }
0xbe: {  	[tilespmem:s26], [sflag:$0x2] =	stream.indirect_vreg.gather [hbm4b:s14+s3], $0x80, v3, vm0, $0xb8;
	[tilespmem:$0x15280] =	vst v63  }
0xbf: {  	_ = 	snop  }
0xc0: {  	[tilespmem:s16], [sflag:$0x2] =	stream.indirect_vreg.gather [hbm4b:s15+s3], $0x80, v3, vm0, $0xb8;
	[tilespmem:$0x15280] =	vst v63  }
0xc1: {  	_ = 	snop  }
0xc2: {  	[tilespmem:s21], [sflag:$0x2] =	stream.indirect_vreg.gather [hbm4b:s0+s3], $0x80, v3, vm0, $0xb8;
	[tilespmem:$0x15280] =	vst v63  }
0xc3: {  	_ = 	snop  }
0xc4: {  	[tilespmem:s23], [sflag:$0x2] =	stream.indirect_vreg.gather [hbm4b:s17+s3], $0x80, v3, vm0, $0xb8;
	[tilespmem:$0x15280] =	vst v63  }
0xc5: {  	_ = 	snop  }
0xc6: {  	[tilespmem:s31], [sflag:$0x2] =	stream.indirect_vreg.gather [hbm4b:s18+s3], $0x80, v3, vm0, $0xb8;
	[tilespmem:$0x15280] =	vst v63  }
0xc7: {  	s31 =	simm.s32 $0xB280  }
0xc8: {  	[tilespmem:s31], [sflag:$0x2] =	stream.indirect_vreg.gather [hbm4b:s19+s3], $0x80, v3, vm0, $0xb8;
	[tilespmem:$0x15280] =	vst v63  }
0xc9: {  	_ = 	snop  }
0xca: {  	[tilespmem:s6], [sflag:$0x2] =	stream.indirect_vreg.gather [hbm4b:s20+s3], $0x80, v3, vm0, $0xb8;
	[tilespmem:$0x15280] =	vst v63  }
0xcb: {  	_ = 	snop  }
0xcc: {  	[tilespmem:s7], [sflag:$0x2] =	stream.indirect_vreg.gather [hbm4b:s22+s3], $0x80, v3, vm0, $0xb8;
	[tilespmem:$0x15280] =	vst v63  }
0xcd: {  	s6 =	simm.s32 $0x3  }
0xce: {  	[tilespmem:s28], [sflag:$0x2] =	stream.indirect_vreg.gather [hbm4b:s1+s3], $0x80, v3, vm0, $0xb8;
	[tilespmem:$0x15280] =	vst v63  }
0xcf: {  	_ =	swait.ge [sflag:s6], $0x8000  }
0xd0: {  	[sflag:s6] =	ssyncset.done $0x0  }
0xd1: {  	s16 =	rddreg [dreg:$0x9];
	[sflag:s6] =	ssyncadd.s32 $0xFFFF8000  }
0xd2: {  	[hbm4b:s16+s3] =	stream.linear.scatter [tilespmem:s4], [sflag:$0x4], $0x8000, $0x38;
	[tilespmem:$0x15280] =	vst v63  }
0xd3: {  	_ =	swait.ge [sflag:s25], $0x8000  }
0xd4: {  	[sflag:s25] =	ssyncset.done $0x0  }
0xd5: {  	[sflag:s25] =	ssyncadd.s32 $0xFFFF8000  }
0xd6: {  	v3 =	vld.msk [tilespmem:$0x200], $0xff;
	_ =	sdelay $0x4  }
0xd7: {  	v63 =	vshll.u32 v3, $0x5  }
0xd8: {  	v3 =	vand.u32 $0x7, v3;
	v4 =	vand.u32 $0xFFFFFF00, v63  }
0xd9: {  	v3 =	vor.u32 v3, v4  }
0xda: {  	v3 =	vperm.xlane v3, v0;
	_ =	sdelay $0x1  }
0xdb: {  	v3 =	vadd.s32 v1, v3;
	_ =	sdelay $0x4  }
0xdc: {  	[tilespmem:s4], [sflag:$0x3] =	stream.indirect_vreg.gather [hbm4b:s29+s3], $0x80, v3, vm0, $0xb8;
	[tilespmem:$0x15280] =	vst v63  }
0xdd: {  	s31 =	simm.s32 $0xDA80  }
0xde: {  	[tilespmem:s31], [sflag:$0x3] =	stream.indirect_vreg.gather [hbm4b:s8+s3], $0x80, v3, vm0, $0xb8;
	[tilespmem:$0x15280] =	vst v63  }
0xdf: {  	s8 =	simm.s32 $0xE280  }
0xe0: {  	[tilespmem:s8], [sflag:$0x3] =	stream.indirect_vreg.gather [hbm4b:s9+s3], $0x80, v3, vm0, $0xb8;
	[tilespmem:$0x15280] =	vst v63  }
0xe1: {  	s9 =	simm.s32 $0xEA80  }
0xe2: {  	[tilespmem:s9], [sflag:$0x3] =	stream.indirect_vreg.gather [hbm4b:s10+s3], $0x80, v3, vm0, $0xb8;
	[tilespmem:$0x15280] =	vst v63  }
0xe3: {  	s10 =	simm.s32 $0xF280  }
0xe4: {  	[tilespmem:s10], [sflag:$0x3] =	stream.indirect_vreg.gather [hbm4b:s11+s3], $0x80, v3, vm0, $0xb8;
	[tilespmem:$0x15280] =	vst v63  }
0xe5: {  	s11 =	simm.s32 $0xFA80  }
0xe6: {  	[tilespmem:s11], [sflag:$0x3] =	stream.indirect_vreg.gather [hbm4b:s12+s3], $0x80, v3, vm0, $0xb8;
	[tilespmem:$0x15280] =	vst v63  }
0xe7: {  	s12 =	simm.s32 $0x10280  }
0xe8: {  	[tilespmem:s12], [sflag:$0x3] =	stream.indirect_vreg.gather [hbm4b:s13+s3], $0x80, v3, vm0, $0xb8;
	[tilespmem:$0x15280] =	vst v63  }
0xe9: {  	s13 =	simm.s32 $0x10A80  }
0xea: {  	[tilespmem:s13], [sflag:$0x3] =	stream.indirect_vreg.gather [hbm4b:s14+s3], $0x80, v3, vm0, $0xb8;
	[tilespmem:$0x15280] =	vst v63  }
0xeb: {  	s14 =	simm.s32 $0x11280  }
0xec: {  	[tilespmem:s14], [sflag:$0x3] =	stream.indirect_vreg.gather [hbm4b:s15+s3], $0x80, v3, vm0, $0xb8;
	[tilespmem:$0x15280] =	vst v63  }
0xed: {  	s15 =	simm.s32 $0x11A80  }
0xee: {  	[tilespmem:s15], [sflag:$0x3] =	stream.indirect_vreg.gather [hbm4b:s0+s3], $0x80, v3, vm0, $0xb8;
	[tilespmem:$0x15280] =	vst v63  }
0xef: {  	s16 =	simm.s32 $0x12280  }
0xf0: {  	[tilespmem:s16], [sflag:$0x3] =	stream.indirect_vreg.gather [hbm4b:s17+s3], $0x80, v3, vm0, $0xb8;
	[tilespmem:$0x15280] =	vst v63  }
0xf1: {  	s17 =	simm.s32 $0x12A80  }
0xf2: {  	[tilespmem:s17], [sflag:$0x3] =	stream.indirect_vreg.gather [hbm4b:s18+s3], $0x80, v3, vm0, $0xb8;
	[tilespmem:$0x15280] =	vst v63  }
0xf3: {  	s18 =	simm.s32 $0x13280  }
0xf4: {  	[tilespmem:s18], [sflag:$0x3] =	stream.indirect_vreg.gather [hbm4b:s19+s3], $0x80, v3, vm0, $0xb8;
	[tilespmem:$0x15280] =	vst v63  }
0xf5: {  	s29 =	simm.s32 $0x13A80  }
0xf6: {  	[tilespmem:s29], [sflag:$0x3] =	stream.indirect_vreg.gather [hbm4b:s20+s3], $0x80, v3, vm0, $0xb8;
	[tilespmem:$0x15280] =	vst v63  }
0xf7: {  	s30 =	simm.s32 $0x14280  }
0xf8: {  	[tilespmem:s30], [sflag:$0x3] =	stream.indirect_vreg.gather [hbm4b:s22+s3], $0x80, v3, vm0, $0xb8;
	[tilespmem:$0x15280] =	vst v63  }
0xf9: {  	s31 =	simm.s32 $0x14A80  }
0xfa: {  	[tilespmem:s31], [sflag:$0x3] =	stream.indirect_vreg.gather [hbm4b:s1+s3], $0x80, v3, vm0, $0xb8;
	[tilespmem:$0x15280] =	vst v63  }
0xfb: {  	_ =	swait.ge [sflag:s2], $0x8000  }
0xfc: {  	[sflag:s2] =	ssyncset.done $0x0  }
0xfd: {  	s1 =	rddreg [dreg:$0xa];
	[sflag:s2] =	ssyncadd.s32 $0xFFFF8000  }
0xfe: {  	[hbm4b:s1+s3] =	stream.linear.scatter [tilespmem:s5], [sflag:$0x4], $0x8000, $0x38;
	[tilespmem:$0x15280] =	vst v63  }
0xff: {  	_ =	swait.ge [sflag:s25], $0x8000  }
0x100: {  	[sflag:s25] =	ssyncset.done $0x0  }
0x101: {  	[sflag:s25] =	ssyncadd.s32 $0xFFFF8000  }
0x102: {  	_ =	swait.ge [sflag:s6], $0x8000  }
0x103: {  	[sflag:s6] =	ssyncset.done $0x0  }
0x104: {  	s2 =	rddreg [dreg:$0xb];
	[sflag:s6] =	ssyncadd.s32 $0xFFFF8000  }
0x105: {  	[hbm4b:s2+s3] =	stream.linear.scatter [tilespmem:s4], [sflag:$0x4], $0x8000, $0x38;
	[tilespmem:$0x15280] =	vst v63  }
0x106: {  	_ =	swait.ge [sflag:s25], $0x8000  }
0x107: {  	[sflag:s25] =	ssyncset.done $0x0  }
0x108: {  	s7 =	simm.s32 $0x1;
	[sflag:s25] =	ssyncadd.s32 $0xFFFF8000  }
0x109: {  	_ =	swait.ge [sflag:s7], $0x5000  }
0x10a: {  	s8 =	sld [smem:$0x7FA]  }
0x10b: {  	[sflag:s7] =	ssyncset.done $0x0  }
0x10c: {  	s9 =	simm.s32 $0x280;
	[sflag:s7] =	ssyncadd.s32 $0xFFFFB000  }
0x10d: {  	[hbm4b:s8+s3] =	stream.linear.scatter [tilespmem:s9], [sflag:$0x4], $0x1000, $0x38;
	[tilespmem:$0x15280] =	vst v63  }
0x10e: {  	s11 =	simm.s32 $0x1680;
	s10 =	sadd.s32 $0x200, s8  }
0x10f: {  	[hbm4b:s10+s3] =	stream.linear.scatter [tilespmem:s11], [sflag:$0x4], $0x1000, $0x38;
	[tilespmem:$0x15280] =	vst v63  }
0x110: {  	s13 =	simm.s32 $0x2A80;
	s12 =	sadd.s32 $0x400, s8  }
0x111: {  	[hbm4b:s12+s3] =	stream.linear.scatter [tilespmem:s13], [sflag:$0x4], $0x1000, $0x38;
	[tilespmem:$0x15280] =	vst v63  }
0x112: {  	s15 =	simm.s32 $0x3E80;
	s14 =	sadd.s32 $0x600, s8  }
0x113: {  	[hbm4b:s14+s3] =	stream.linear.scatter [tilespmem:s15], [sflag:$0x4], $0x1000, $0x38;
	[tilespmem:$0x15280] =	vst v63  }
0x114: {  	_ =	swait.ge [sflag:s25], $0x4000  }
0x115: {  	s16 =	sld [smem:$0x7FC]  }
0x116: {  	[sflag:s25] =	ssyncset.done $0x0  }
0x117: {  	s17 =	simm.s32 $0x1280;
	[sflag:s25] =	ssyncadd.s32 $0xFFFFC000  }
0x118: {  	[hbm4b:s16+s3] =	stream.linear.scatter [tilespmem:s17], [sflag:$0x4], $0x400, $0x38;
	[tilespmem:$0x15280] =	vst v63  }
0x119: {  	s19 =	simm.s32 $0x2680;
	s18 =	sadd.s32 $0x80, s16  }
0x11a: {  	[hbm4b:s18+s3] =	stream.linear.scatter [tilespmem:s19], [sflag:$0x4], $0x400, $0x38;
	[tilespmem:$0x15280] =	vst v63  }
0x11b: {  	p0 =	sne.s32 s24, $0x1;
	s22 =	simm.s32 $0x3A80;
	s20 =	sadd.s32 $0x100, s16  }
0x11c: {  	[hbm4b:s20+s3] =	stream.linear.scatter [tilespmem:s22], [sflag:$0x4], $0x400, $0x38;
	[tilespmem:$0x15280] =	vst v63  }
.Ltmp0:
0x11d: {  	s31 =	simm.s32 $0x4E80;
	s29 =	sadd.s32 $0x180, s16;
	(pc) =	sbr.rel @p0 .LBB2_1-.Ltmp0, $4  }
0x11e: {  	[hbm4b:s29+s3] =	stream.linear.scatter [tilespmem:s31], [sflag:$0x4], $0x400, $0x38;
	[tilespmem:$0x15280] =	vst v63  }
0x11f: {  	_ =	swait.ge [sflag:s25], $0x1000  }
0x120: {  	[sflag:s25] =	ssyncset.done $0x0  }
0x121: {  	s24 =	sadd.s32 $0xFFFFFFFF, s24;
	[sflag:s25] =	ssyncadd.s32 $0xFFFFF000  }
0x122: {  	_ =	sfence.sel $0x180000  }
0x123: {  	[bflag:$0x0] =	sbarrier.arrive $0xFFFF  }
0x124: {  	_ =	strace $0x90000047  }
0x125: {  	s0 =	stileid.u32;
	[bflag:$0x2] =	sbarrier.arrive $0xFFFF  }
0x126: {  	p0 =	sne.s32 s0, $0x0;
	s0 =	rddreg [dreg:$0x5]  }
0x127: {  	s0 =	sadd.s32 @!p0 $0x100000, s0  }
0x128: {  	[sflag:s0] =	ssyncadd.tile.s32 @!p0 $0x1;
	_ =	shalt  }
.Lfunc_end2:
_tile_overlayer_lowered:
.L_overlay_start_2:
0x129: {  	(tag) =	ssettag $0x2  }
0x12a: {  	s0 =	rddreg [dreg:$0x0];
	s2 =	stileid.u32  }
0x12b: {  	s1 =	rddreg [dreg:$0x1];
	p0 =	sne.s32 s2, $0x0  }
0x12c: {  	s3 =	rddreg [dreg:$0x2];
	[bflag:$0x3] =	sbarrier.arrive $0xFFFF;
	s2 =	simm.s32 @!p0 $0x1C04  }
0x12d: {  	[timem:s3], [sflag:s2] =	dma.local @!p0 [hbm:s0], s1  }
0x12e: {  	s0 =	simm.s32 @!p0 $0x4  }
0x12f: {  	_ =	swait.ge @!p0 [sflag:s0], s1  }
0x130: {  	s1 =	ssub.s32 @!p0 $0x0, s1;
	[sflag:s0] =	ssyncset.done @!p0 $0x0  }
0x131: {  	[sflag:s0] =	ssyncadd.s32 @!p0 s1  }
0x132: {  	[bflag:$0x3] =	sbarrier.arrive $0xFFFF  }
0x133: {  	_ =	shalt  }

</sc_bundles>
